<compile_context>
chip_gen: v7x
topology: tpu7x:2x2x1
jax: 0.10.2.dev20260603
libtpu: 0.0.44.dev20260713+nightly
codegen_flags: <defaults>
</compile_context>

<pallas_src>
import functools

import jax
import jax.numpy as jnp
from jax import lax
from jax.experimental import pallas as pl
from jax.experimental.pallas import tpu as pltpu
from jax.experimental.pallas import tpu_sc as plsc

VOCAB = 128100
BATCH = 128
SEQ = 512
DIM = 1024
EPS = 1e-07

NC = 2
NS = 16
NW = NC * NS
SBLK = SEQ // NW
NB = 4
NCHUNK = BATCH // NB
NJ = DIM // 16


def _rsqrt16(x):
    i = lax.bitcast_convert_type(x, jnp.int32)
    i = jnp.int32(0x5F3759DF) - (i >> 1)
    y = lax.bitcast_convert_type(i, jnp.float32)
    half = x * 0.5
    for _ in range(3):
        y = y * (1.5 - half * y * y)
    return y


def _body(ids_hbm, w_hbm, pos_hbm, g_hbm, b_hbm, out_hbm,
          idx_v, pos_v, g_v, b_v, rows_v, sem):
    wid = lax.axis_index("s") * NC + lax.axis_index("c")
    s0 = wid * SBLK

    pltpu.sync_copy(ids_hbm.at[wid], idx_v)
    pltpu.sync_copy(pos_hbm.at[pl.ds(s0, SBLK), :], pos_v)
    pltpu.sync_copy(g_hbm, g_v)
    pltpu.sync_copy(b_hbm, b_v)

    inv_d = jnp.float32(1.0 / DIM)

    @pl.loop(0, NCHUNK)
    def _chunk(c):
        b0 = c * NB
        for b in range(NB):
            pltpu.async_copy(w_hbm.at[idx_v.at[pl.ds((b0 + b) * SBLK, SBLK)]],
                             rows_v.at[b], sem)
        for b in range(NB):
            pltpu.make_async_copy(
                w_hbm.at[idx_v.at[pl.ds((b0 + b) * SBLK, SBLK)]],
                rows_v.at[b], sem).wait()

        @pl.loop(0, NB * SBLK)
        def _row(i):
            b = i // SBLK
            si = i % SBLK

            def j1(j, carry):
                s, s2 = carry
                x = rows_v[b, si, pl.ds(j * 16, 16)] + pos_v[si, pl.ds(j * 16, 16)]
                rows_v[b, si, pl.ds(j * 16, 16)] = x
                return (s + x, s2 + x * x)

            z = jnp.zeros((16,), jnp.float32)
            s, s2 = lax.fori_loop(0, NJ, j1, (z, z), unroll=4)
            lanes = lax.iota(jnp.int32, 16)
            for sh in (8, 4, 2, 1):
                perm = lanes ^ sh
                s = s + s.at[perm].get(mode="promise_in_bounds")
                s2 = s2 + s2.at[perm].get(mode="promise_in_bounds")
            mean_v = s * inv_d
            var_v = s2 * inv_d - mean_v * mean_v
            rstd_v = _rsqrt16(var_v + EPS)

            def j2(j, _):
                x = rows_v[b, si, pl.ds(j * 16, 16)]
                g = g_v[pl.ds(j * 16, 16)]
                bt = b_v[pl.ds(j * 16, 16)]
                rows_v[b, si, pl.ds(j * 16, 16)] = (x - mean_v) * rstd_v * g + bt
                return 0

            lax.fori_loop(0, NJ, j2, 0, unroll=4)

        pltpu.sync_copy(rows_v, out_hbm.at[pl.ds(b0, NB), pl.ds(s0, SBLK), :])


_sc_call = functools.partial(
    pl.kernel,
    out_type=jax.ShapeDtypeStruct((BATCH, SEQ, DIM), jnp.float32),
    mesh=plsc.VectorSubcoreMesh(core_axis_name="c", subcore_axis_name="s",
                                num_cores=NC, num_subcores=NS),
    scratch_types=[
        pltpu.VMEM((BATCH * SBLK,), jnp.int32),
        pltpu.VMEM((SBLK, DIM), jnp.float32),
        pltpu.VMEM((DIM,), jnp.float32),
        pltpu.VMEM((DIM,), jnp.float32),
        pltpu.VMEM((NB, SBLK, DIM), jnp.float32),
        pltpu.SemaphoreType.DMA,
    ],
)(_body)


def kernel(input_ids, weight, position_embeddings, ln_gamma, ln_beta):
    ids_perm = (input_ids.astype(jnp.int32)
                .reshape(BATCH, NW, SBLK)
                .transpose(1, 0, 2)
                .reshape(NW, BATCH * SBLK))
    return _sc_call(ids_perm, weight, position_embeddings, ln_gamma, ln_beta)

# --- scband reference (transcript-rebuilt; emitter-appended) ---
"""Pipeline reference for scband-tfdeberta-v2-embeddings-54829552501025 (READ-ONLY COPY).

The authoritative reference and input builder live on the scoring server;
editing this copy changes nothing except your own understanding.
"""

import jax, jax.numpy as jnp
import numpy as np

VOCAB = 128100
BATCH = 128
SEQ = 512
DIM = 1024
EPS = 1e-07


def setup_inputs(seed: int = 0) -> dict:
    key = jax.random.key(seed)
    k1, k2, k3 = jax.random.split(key, 3)
    input_ids = jax.random.randint(k1, (BATCH, SEQ), 0, VOCAB)
    weight = jax.random.normal(k2, (VOCAB, DIM), dtype=jnp.float32) * 0.02
    position_embeddings = jax.random.normal(k3, (SEQ, DIM), dtype=jnp.float32) * 0.02
    ln_gamma = jnp.ones((DIM,), dtype=jnp.float32)
    ln_beta = jnp.zeros((DIM,), dtype=jnp.float32)
    return {
        "input_ids": input_ids,
        "weight": weight,
        "position_embeddings": position_embeddings,
        "ln_gamma": ln_gamma,
        "ln_beta": ln_beta,
    }


def reference(input_ids, weight, position_embeddings, ln_gamma, ln_beta):
    # word embedding lookup (gather)
    inputs_embeds = jnp.take(weight, input_ids, axis=0)  # [B, S, D]
    # default position_ids = arange(seq)[None]
    position_ids = jnp.arange(SEQ, dtype=jnp.int32)[None, :]
    # position_biased_input=True -> gather position embeddings and add
    position_embeds = jnp.take(position_embeddings, position_ids, axis=0)  # [1, S, D]
    final = inputs_embeds + position_embeds
    # type_vocab_size == 0 -> no token_type embeddings
    # embedding_size == hidden_size -> no embed_proj
    # LayerNorm over last dim
    mean = jnp.mean(final, axis=-1, keepdims=True)
    var = jnp.mean(jnp.square(final - mean), axis=-1, keepdims=True)
    normed = (final - mean) / jnp.sqrt(var + EPS)
    out = normed * ln_gamma + ln_beta
    # mask is None; dropout is identity in eval (training=False)
    return out

if __name__ == "__main__":
    import jax
    _d = setup_inputs()
    print(jax.jit(kernel)(*tuple(_d.values())))

</pallas_src>

<mosaic_0001>
#map = affine_map<(d0, d1) -> (0, 0)>
#map1 = affine_map<(d0, d1) -> (0)>
#map2 = affine_map<(d0, d1) -> (0, 0, 0)>
module attributes {stable_mosaic.version = 14 : i64} {
  func.func @_body(%arg0: i32, %arg1: i32, %arg2: memref<32x2048xi32, #tpu.memory_space<hbm>>, %arg3: memref<128100x1024xf32, #tpu.memory_space<hbm>>, %arg4: memref<512x1024xf32, #tpu.memory_space<hbm>>, %arg5: memref<1024xf32, #tpu.memory_space<hbm>>, %arg6: memref<1024xf32, #tpu.memory_space<hbm>>, %arg7: memref<128x512x1024xf32, #tpu.memory_space<hbm>>, %arg8: memref<2048xi32, #tpu.memory_space<vmem>>, %arg9: memref<16x1024xf32, #tpu.memory_space<vmem>>, %arg10: memref<1024xf32, #tpu.memory_space<vmem>>, %arg11: memref<1024xf32, #tpu.memory_space<vmem>>, %arg12: memref<4x16x1024xf32, #tpu.memory_space<vmem>>, %arg13: memref<!tpu.dma_semaphore, #tpu.memory_space<semaphore_mem>>) attributes {dimension_semantics = [#tpu.dimension_semantics<core_parallel>, #tpu.dimension_semantics<subcore_parallel>], iteration_bounds = array<i64: 2, 16>, scalar_prefetch = 0 : i64, scratch_operands = 6 : i64, tpu.core_type = #tpu.core_type<sc_vector_subcore>, window_params = [{transform_indices = #map}, {transform_indices = #map}, {transform_indices = #map}, {transform_indices = #map1}, {transform_indices = #map1}, {transform_indices = #map2}]} {
    %mul3A = arith.constant 2 : i32
    %mul3A_0 = arith.muli %arg1, %mul3A : i32
    %add3A = arith.addi %mul3A_0, %arg0 : i32
    %mul3A_1 = arith.constant 16 : i32
    %mul3A_2 = arith.muli %add3A, %mul3A_1 : i32
    "tpu.region"() ({
      %run_scoped3A = tpu.sem_alloc : memref<!tpu.dma_semaphore, #tpu.memory_space<semaphore_mem>>
      %dma_start3A = arith.constant 0 : i32
      %dma_start3A_8 = tpu.memref_slice %arg2[%add3A, %dma_start3A] : memref<32x2048xi32, #tpu.memory_space<hbm>> -> memref<1x2048xi32, #tpu.memory_space<hbm>>
      %dma_start3A_9 = tpu.memref_squeeze %dma_start3A_8 : memref<1x2048xi32, #tpu.memory_space<hbm>> -> memref<2048xi32, #tpu.memory_space<hbm>>
      %dma_start3A_10 = arith.constant 0 : i32
      %dma_start3A_11 = tpu.memref_slice %arg2[%add3A, %dma_start3A_10] : memref<32x2048xi32, #tpu.memory_space<hbm>> -> memref<1x2048xi32, #tpu.memory_space<hbm>>
      %dma_start3A_12 = tpu.memref_squeeze %dma_start3A_11 : memref<1x2048xi32, #tpu.memory_space<hbm>> -> memref<2048xi32, #tpu.memory_space<hbm>>
      tpu.enqueue_dma source(%dma_start3A_12 : memref<2048xi32, #tpu.memory_space<hbm>>) target(%arg8 : memref<2048xi32, #tpu.memory_space<vmem>>) target_semaphore(%run_scoped3A : memref<!tpu.dma_semaphore, #tpu.memory_space<semaphore_mem>>)
      %dma_wait3A = arith.constant 0 : i32
      %dma_wait3A_13 = tpu.memref_slice %arg2[%add3A, %dma_wait3A] : memref<32x2048xi32, #tpu.memory_space<hbm>> -> memref<1x2048xi32, #tpu.memory_space<hbm>>
      %dma_wait3A_14 = tpu.memref_squeeze %dma_wait3A_13 : memref<1x2048xi32, #tpu.memory_space<hbm>> -> memref<2048xi32, #tpu.memory_space<hbm>>
      %dma_wait3A_15 = arith.constant 0 : i32
      %dma_wait3A_16 = tpu.memref_slice %arg2[%add3A, %dma_wait3A_15] : memref<32x2048xi32, #tpu.memory_space<hbm>> -> memref<1x2048xi32, #tpu.memory_space<hbm>>
      %dma_wait3A_17 = tpu.memref_squeeze %dma_wait3A_16 : memref<1x2048xi32, #tpu.memory_space<hbm>> -> memref<2048xi32, #tpu.memory_space<hbm>>
      tpu.wait_dma2 semaphore(%run_scoped3A : memref<!tpu.dma_semaphore, #tpu.memory_space<semaphore_mem>>) src(%dma_wait3A_17 : memref<2048xi32, #tpu.memory_space<hbm>>) dst(%arg8 : memref<2048xi32, #tpu.memory_space<vmem>>)
      tpu.yield
    }) : () -> ()
    "tpu.region"() ({
      %run_scoped3A = tpu.sem_alloc : memref<!tpu.dma_semaphore, #tpu.memory_space<semaphore_mem>>
      %dma_start3A = arith.constant 0 : i32
      %dma_start3A_8 = tpu.memref_slice %arg4[%mul3A_2, %dma_start3A] : memref<512x1024xf32, #tpu.memory_space<hbm>> -> memref<16x1024xf32, #tpu.memory_space<hbm>>
      %dma_start3A_9 = arith.constant 0 : i32
      %dma_start3A_10 = tpu.memref_slice %arg4[%mul3A_2, %dma_start3A_9] : memref<512x1024xf32, #tpu.memory_space<hbm>> -> memref<16x1024xf32, #tpu.memory_space<hbm>>
      tpu.enqueue_dma source(%dma_start3A_10 : memref<16x1024xf32, #tpu.memory_space<hbm>>) target(%arg9 : memref<16x1024xf32, #tpu.memory_space<vmem>>) target_semaphore(%run_scoped3A : memref<!tpu.dma_semaphore, #tpu.memory_space<semaphore_mem>>)
      %dma_wait3A = arith.constant 0 : i32
      %dma_wait3A_11 = tpu.memref_slice %arg4[%mul3A_2, %dma_wait3A] : memref<512x1024xf32, #tpu.memory_space<hbm>> -> memref<16x1024xf32, #tpu.memory_space<hbm>>
      %dma_wait3A_12 = arith.constant 0 : i32
      %dma_wait3A_13 = tpu.memref_slice %arg4[%mul3A_2, %dma_wait3A_12] : memref<512x1024xf32, #tpu.memory_space<hbm>> -> memref<16x1024xf32, #tpu.memory_space<hbm>>
      tpu.wait_dma2 semaphore(%run_scoped3A : memref<!tpu.dma_semaphore, #tpu.memory_space<semaphore_mem>>) src(%dma_wait3A_13 : memref<16x1024xf32, #tpu.memory_space<hbm>>) dst(%arg9 : memref<16x1024xf32, #tpu.memory_space<vmem>>)
      tpu.yield
    }) : () -> ()
    "tpu.region"() ({
      %run_scoped3A = tpu.sem_alloc : memref<!tpu.dma_semaphore, #tpu.memory_space<semaphore_mem>>
      tpu.enqueue_dma source(%arg5 : memref<1024xf32, #tpu.memory_space<hbm>>) target(%arg10 : memref<1024xf32, #tpu.memory_space<vmem>>) target_semaphore(%run_scoped3A : memref<!tpu.dma_semaphore, #tpu.memory_space<semaphore_mem>>)
      tpu.wait_dma2 semaphore(%run_scoped3A : memref<!tpu.dma_semaphore, #tpu.memory_space<semaphore_mem>>) src(%arg5 : memref<1024xf32, #tpu.memory_space<hbm>>) dst(%arg10 : memref<1024xf32, #tpu.memory_space<vmem>>)
      tpu.yield
    }) : () -> ()
    "tpu.region"() ({
      %run_scoped3A = tpu.sem_alloc : memref<!tpu.dma_semaphore, #tpu.memory_space<semaphore_mem>>
      tpu.enqueue_dma source(%arg6 : memref<1024xf32, #tpu.memory_space<hbm>>) target(%arg11 : memref<1024xf32, #tpu.memory_space<vmem>>) target_semaphore(%run_scoped3A : memref<!tpu.dma_semaphore, #tpu.memory_space<semaphore_mem>>)
      tpu.wait_dma2 semaphore(%run_scoped3A : memref<!tpu.dma_semaphore, #tpu.memory_space<semaphore_mem>>) src(%arg6 : memref<1024xf32, #tpu.memory_space<hbm>>) dst(%arg11 : memref<1024xf32, #tpu.memory_space<vmem>>)
      tpu.yield
    }) : () -> ()
    %scan3A = arith.constant 9.765625E-4 : f32
    %scan3A_3 = arith.constant 0 : i32
    %scan3A_4 = arith.constant 32 : i32
    %scan3A_5 = arith.addi %scan3A_3, %scan3A_4 : i32
    %scan3A_6 = arith.constant 1 : i32
    scf.for %scan3A_8 = %scan3A_3 to %scan3A_5 step %scan3A_6  : i32 {
      %mul3A_9 = arith.constant 1 : i32
      %mul3A_10 = arith.muli %scan3A_8, %mul3A_9 : i32
      %add3A_11 = arith.constant 0 : i32
      %add3A_12 = arith.addi %add3A_11, %mul3A_10 : i32
      %mul3A_13 = arith.constant 4 : i32
      %mul3A_14 = arith.muli %add3A_12, %mul3A_13 : i32
      %add3A_15 = arith.constant 0 : i32
      %add3A_16 = arith.addi %mul3A_14, %add3A_15 : i32
      %mul3A_17 = arith.constant 16 : i32
      %mul3A_18 = arith.muli %add3A_16, %mul3A_17 : i32
      %dma_start3A = arith.constant 0 : i32
      %dma_start3A_19 = arith.constant 0 : i32
      %dma_start3A_20 = arith.constant 0 : i32
      %dma_start3A_21 = tpu.memref_slice %arg12[%dma_start3A, %dma_start3A_19, %dma_start3A_20] : memref<4x16x1024xf32, #tpu.memory_space<vmem>> -> memref<1x16x1024xf32, #tpu.memory_space<vmem>>
      %dma_start3A_22 = tpu.memref_squeeze %dma_start3A_21 : memref<1x16x1024xf32, #tpu.memory_space<vmem>> -> memref<16x1024xf32, #tpu.memory_space<vmem>>
      %dma_start3A_23 = tpu.memref_slice %arg8[%mul3A_18] : memref<2048xi32, #tpu.memory_space<vmem>> -> memref<16xi32, #tpu.memory_space<vmem>>
      %dma_start3A_24 = arith.constant 0 : i32
      %dma_start3A_25 = arith.constant 0 : i32
      %dma_start3A_26 = tpu.memref_slice %arg3[%dma_start3A_24, %dma_start3A_25] : memref<128100x1024xf32, #tpu.memory_space<hbm>> -> memref<128100x1024xf32, #tpu.memory_space<hbm>>
      tpu.enqueue_indirect_dma source(%dma_start3A_26 : memref<128100x1024xf32, #tpu.memory_space<hbm>>) target(%dma_start3A_22 : memref<16x1024xf32, #tpu.memory_space<vmem>>) offsets(%dma_start3A_23 : memref<16xi32, #tpu.memory_space<vmem>>) semaphore(%arg13 : memref<!tpu.dma_semaphore, #tpu.memory_space<semaphore_mem>>)
      %add3A_27 = arith.constant 1 : i32
      %add3A_28 = arith.addi %mul3A_14, %add3A_27 : i32
      %mul3A_29 = arith.constant 16 : i32
      %mul3A_30 = arith.muli %add3A_28, %mul3A_29 : i32
      %dma_start3A_31 = arith.constant 1 : i32
      %dma_start3A_32 = arith.constant 0 : i32
      %dma_start3A_33 = arith.constant 0 : i32
      %dma_start3A_34 = tpu.memref_slice %arg12[%dma_start3A_31, %dma_start3A_32, %dma_start3A_33] : memref<4x16x1024xf32, #tpu.memory_space<vmem>> -> memref<1x16x1024xf32, #tpu.memory_space<vmem>>
      %dma_start3A_35 = tpu.memref_squeeze %dma_start3A_34 : memref<1x16x1024xf32, #tpu.memory_space<vmem>> -> memref<16x1024xf32, #tpu.memory_space<vmem>>
      %dma_start3A_36 = tpu.memref_slice %arg8[%mul3A_30] : memref<2048xi32, #tpu.memory_space<vmem>> -> memref<16xi32, #tpu.memory_space<vmem>>
      %dma_start3A_37 = arith.constant 0 : i32
      %dma_start3A_38 = arith.constant 0 : i32
      %dma_start3A_39 = tpu.memref_slice %arg3[%dma_start3A_37, %dma_start3A_38] : memref<128100x1024xf32, #tpu.memory_space<hbm>> -> memref<128100x1024xf32, #tpu.memory_space<hbm>>
      tpu.enqueue_indirect_dma source(%dma_start3A_39 : memref<128100x1024xf32, #tpu.memory_space<hbm>>) target(%dma_start3A_35 : memref<16x1024xf32, #tpu.memory_space<vmem>>) offsets(%dma_start3A_36 : memref<16xi32, #tpu.memory_space<vmem>>) semaphore(%arg13 : memref<!tpu.dma_semaphore, #tpu.memory_space<semaphore_mem>>)
      %add3A_40 = arith.constant 2 : i32
      %add3A_41 = arith.addi %mul3A_14, %add3A_40 : i32
      %mul3A_42 = arith.constant 16 : i32
      %mul3A_43 = arith.muli %add3A_41, %mul3A_42 : i32
      %dma_start3A_44 = arith.constant 2 : i32
      %dma_start3A_45 = arith.constant 0 : i32
      %dma_start3A_46 = arith.constant 0 : i32
      %dma_start3A_47 = tpu.memref_slice %arg12[%dma_start3A_44, %dma_start3A_45, %dma_start3A_46] : memref<4x16x1024xf32, #tpu.memory_space<vmem>> -> memref<1x16x1024xf32, #tpu.memory_space<vmem>>
      %dma_start3A_48 = tpu.memref_squeeze %dma_start3A_47 : memref<1x16x1024xf32, #tpu.memory_space<vmem>> -> memref<16x1024xf32, #tpu.memory_space<vmem>>
      %dma_start3A_49 = tpu.memref_slice %arg8[%mul3A_43] : memref<2048xi32, #tpu.memory_space<vmem>> -> memref<16xi32, #tpu.memory_space<vmem>>
      %dma_start3A_50 = arith.constant 0 : i32
      %dma_start3A_51 = arith.constant 0 : i32
      %dma_start3A_52 = tpu.memref_slice %arg3[%dma_start3A_50, %dma_start3A_51] : memref<128100x1024xf32, #tpu.memory_space<hbm>> -> memref<128100x1024xf32, #tpu.memory_space<hbm>>
      tpu.enqueue_indirect_dma source(%dma_start3A_52 : memref<128100x1024xf32, #tpu.memory_space<hbm>>) target(%dma_start3A_48 : memref<16x1024xf32, #tpu.memory_space<vmem>>) offsets(%dma_start3A_49 : memref<16xi32, #tpu.memory_space<vmem>>) semaphore(%arg13 : memref<!tpu.dma_semaphore, #tpu.memory_space<semaphore_mem>>)
      %add3A_53 = arith.constant 3 : i32
      %add3A_54 = arith.addi %mul3A_14, %add3A_53 : i32
      %mul3A_55 = arith.constant 16 : i32
      %mul3A_56 = arith.muli %add3A_54, %mul3A_55 : i32
      %dma_start3A_57 = arith.constant 3 : i32
      %dma_start3A_58 = arith.constant 0 : i32
      %dma_start3A_59 = arith.constant 0 : i32
      %dma_start3A_60 = tpu.memref_slice %arg12[%dma_start3A_57, %dma_start3A_58, %dma_start3A_59] : memref<4x16x1024xf32, #tpu.memory_space<vmem>> -> memref<1x16x1024xf32, #tpu.memory_space<vmem>>
      %dma_start3A_61 = tpu.memref_squeeze %dma_start3A_60 : memref<1x16x1024xf32, #tpu.memory_space<vmem>> -> memref<16x1024xf32, #tpu.memory_space<vmem>>
      %dma_start3A_62 = tpu.memref_slice %arg8[%mul3A_56] : memref<2048xi32, #tpu.memory_space<vmem>> -> memref<16xi32, #tpu.memory_space<vmem>>
      %dma_start3A_63 = arith.constant 0 : i32
      %dma_start3A_64 = arith.constant 0 : i32
      %dma_start3A_65 = tpu.memref_slice %arg3[%dma_start3A_63, %dma_start3A_64] : memref<128100x1024xf32, #tpu.memory_space<hbm>> -> memref<128100x1024xf32, #tpu.memory_space<hbm>>
      tpu.enqueue_indirect_dma source(%dma_start3A_65 : memref<128100x1024xf32, #tpu.memory_space<hbm>>) target(%dma_start3A_61 : memref<16x1024xf32, #tpu.memory_space<vmem>>) offsets(%dma_start3A_62 : memref<16xi32, #tpu.memory_space<vmem>>) semaphore(%arg13 : memref<!tpu.dma_semaphore, #tpu.memory_space<semaphore_mem>>)
      %add3A_66 = arith.constant 0 : i32
      %add3A_67 = arith.addi %mul3A_14, %add3A_66 : i32
      %mul3A_68 = arith.constant 16 : i32
      %mul3A_69 = arith.muli %add3A_67, %mul3A_68 : i32
      %dma_wait3A = arith.constant 0 : i32
      %dma_wait3A_70 = arith.constant 0 : i32
      %dma_wait3A_71 = arith.constant 0 : i32
      %dma_wait3A_72 = tpu.memref_slice %arg12[%dma_wait3A, %dma_wait3A_70, %dma_wait3A_71] : memref<4x16x1024xf32, #tpu.memory_space<vmem>> -> memref<1x16x1024xf32, #tpu.memory_space<vmem>>
      %dma_wait3A_73 = tpu.memref_squeeze %dma_wait3A_72 : memref<1x16x1024xf32, #tpu.memory_space<vmem>> -> memref<16x1024xf32, #tpu.memory_space<vmem>>
      %dma_wait3A_74 = tpu.memref_slice %arg8[%mul3A_69] : memref<2048xi32, #tpu.memory_space<vmem>> -> memref<16xi32, #tpu.memory_space<vmem>>
      %dma_wait3A_75 = arith.constant 0 : i32
      %dma_wait3A_76 = arith.constant 0 : i32
      %dma_wait3A_77 = tpu.memref_slice %arg3[%dma_wait3A_75, %dma_wait3A_76] : memref<128100x1024xf32, #tpu.memory_space<hbm>> -> memref<128100x1024xf32, #tpu.memory_space<hbm>>
      tpu.wait_indirect_dma semaphore(%arg13 : memref<!tpu.dma_semaphore, #tpu.memory_space<semaphore_mem>>) src(%dma_wait3A_77 : memref<128100x1024xf32, #tpu.memory_space<hbm>>) dst(%dma_wait3A_73 : memref<16x1024xf32, #tpu.memory_space<vmem>>)
      %add3A_78 = arith.constant 1 : i32
      %add3A_79 = arith.addi %mul3A_14, %add3A_78 : i32
      %mul3A_80 = arith.constant 16 : i32
      %mul3A_81 = arith.muli %add3A_79, %mul3A_80 : i32
      %dma_wait3A_82 = arith.constant 1 : i32
      %dma_wait3A_83 = arith.constant 0 : i32
      %dma_wait3A_84 = arith.constant 0 : i32
      %dma_wait3A_85 = tpu.memref_slice %arg12[%dma_wait3A_82, %dma_wait3A_83, %dma_wait3A_84] : memref<4x16x1024xf32, #tpu.memory_space<vmem>> -> memref<1x16x1024xf32, #tpu.memory_space<vmem>>
      %dma_wait3A_86 = tpu.memref_squeeze %dma_wait3A_85 : memref<1x16x1024xf32, #tpu.memory_space<vmem>> -> memref<16x1024xf32, #tpu.memory_space<vmem>>
      %dma_wait3A_87 = tpu.memref_slice %arg8[%mul3A_81] : memref<2048xi32, #tpu.memory_space<vmem>> -> memref<16xi32, #tpu.memory_space<vmem>>
      %dma_wait3A_88 = arith.constant 0 : i32
      %dma_wait3A_89 = arith.constant 0 : i32
      %dma_wait3A_90 = tpu.memref_slice %arg3[%dma_wait3A_88, %dma_wait3A_89] : memref<128100x1024xf32, #tpu.memory_space<hbm>> -> memref<128100x1024xf32, #tpu.memory_space<hbm>>
      tpu.wait_indirect_dma semaphore(%arg13 : memref<!tpu.dma_semaphore, #tpu.memory_space<semaphore_mem>>) src(%dma_wait3A_90 : memref<128100x1024xf32, #tpu.memory_space<hbm>>) dst(%dma_wait3A_86 : memref<16x1024xf32, #tpu.memory_space<vmem>>)
      %add3A_91 = arith.constant 2 : i32
      %add3A_92 = arith.addi %mul3A_14, %add3A_91 : i32
      %mul3A_93 = arith.constant 16 : i32
      %mul3A_94 = arith.muli %add3A_92, %mul3A_93 : i32
      %dma_wait3A_95 = arith.constant 2 : i32
      %dma_wait3A_96 = arith.constant 0 : i32
      %dma_wait3A_97 = arith.constant 0 : i32
      %dma_wait3A_98 = tpu.memref_slice %arg12[%dma_wait3A_95, %dma_wait3A_96, %dma_wait3A_97] : memref<4x16x1024xf32, #tpu.memory_space<vmem>> -> memref<1x16x1024xf32, #tpu.memory_space<vmem>>
      %dma_wait3A_99 = tpu.memref_squeeze %dma_wait3A_98 : memref<1x16x1024xf32, #tpu.memory_space<vmem>> -> memref<16x1024xf32, #tpu.memory_space<vmem>>
      %dma_wait3A_100 = tpu.memref_slice %arg8[%mul3A_94] : memref<2048xi32, #tpu.memory_space<vmem>> -> memref<16xi32, #tpu.memory_space<vmem>>
      %dma_wait3A_101 = arith.constant 0 : i32
      %dma_wait3A_102 = arith.constant 0 : i32
      %dma_wait3A_103 = tpu.memref_slice %arg3[%dma_wait3A_101, %dma_wait3A_102] : memref<128100x1024xf32, #tpu.memory_space<hbm>> -> memref<128100x1024xf32, #tpu.memory_space<hbm>>
      tpu.wait_indirect_dma semaphore(%arg13 : memref<!tpu.dma_semaphore, #tpu.memory_space<semaphore_mem>>) src(%dma_wait3A_103 : memref<128100x1024xf32, #tpu.memory_space<hbm>>) dst(%dma_wait3A_99 : memref<16x1024xf32, #tpu.memory_space<vmem>>)
      %add3A_104 = arith.constant 3 : i32
      %add3A_105 = arith.addi %mul3A_14, %add3A_104 : i32
      %mul3A_106 = arith.constant 16 : i32
      %mul3A_107 = arith.muli %add3A_105, %mul3A_106 : i32
      %dma_wait3A_108 = arith.constant 3 : i32
      %dma_wait3A_109 = arith.constant 0 : i32
      %dma_wait3A_110 = arith.constant 0 : i32
      %dma_wait3A_111 = tpu.memref_slice %arg12[%dma_wait3A_108, %dma_wait3A_109, %dma_wait3A_110] : memref<4x16x1024xf32, #tpu.memory_space<vmem>> -> memref<1x16x1024xf32, #tpu.memory_space<vmem>>
      %dma_wait3A_112 = tpu.memref_squeeze %dma_wait3A_111 : memref<1x16x1024xf32, #tpu.memory_space<vmem>> -> memref<16x1024xf32, #tpu.memory_space<vmem>>
      %dma_wait3A_113 = tpu.memref_slice %arg8[%mul3A_107] : memref<2048xi32, #tpu.memory_space<vmem>> -> memref<16xi32, #tpu.memory_space<vmem>>
      %dma_wait3A_114 = arith.constant 0 : i32
      %dma_wait3A_115 = arith.constant 0 : i32
      %dma_wait3A_116 = tpu.memref_slice %arg3[%dma_wait3A_114, %dma_wait3A_115] : memref<128100x1024xf32, #tpu.memory_space<hbm>> -> memref<128100x1024xf32, #tpu.memory_space<hbm>>
      tpu.wait_indirect_dma semaphore(%arg13 : memref<!tpu.dma_semaphore, #tpu.memory_space<semaphore_mem>>) src(%dma_wait3A_116 : memref<128100x1024xf32, #tpu.memory_space<hbm>>) dst(%dma_wait3A_112 : memref<16x1024xf32, #tpu.memory_space<vmem>>)
      %scan3A_117 = arith.constant 0 : i32
      %scan3A_118 = arith.constant 64 : i32
      %scan3A_119 = arith.addi %scan3A_117, %scan3A_118 : i32
      %scan3A_120 = arith.constant 1 : i32
      scf.for %scan3A_122 = %scan3A_117 to %scan3A_119 step %scan3A_120  : i32 {
        %mul3A_123 = arith.constant 1 : i32
        %mul3A_124 = arith.muli %scan3A_122, %mul3A_123 : i32
        %add3A_125 = arith.constant 0 : i32
        %add3A_126 = arith.addi %add3A_125, %mul3A_124 : i32
        %jit3A = arith.constant 16 : i32
        %div3A = arith.divsi %add3A_126, %jit3A : i32
        %sign3A = arith.constant 0 : i32
        %sign3A_127 = arith.cmpi sgt, %add3A_126, %sign3A : i32
        %sign3A_128 = arith.extui %sign3A_127 : i1 to i32
        %sign3A_129 = arith.constant 0 : i32
        %sign3A_130 = arith.cmpi slt, %add3A_126, %sign3A_129 : i32
        %sign3A_131 = arith.extui %sign3A_130 : i1 to i32
        %sign3A_132 = arith.subi %sign3A_128, %sign3A_131 : i32
        %sign3A_133 = arith.constant 0 : i32
        %sign3A_134 = arith.cmpi sgt, %jit3A, %sign3A_133 : i32
        %sign3A_135 = arith.extui %sign3A_134 : i1 to i32
        %sign3A_136 = arith.constant 0 : i32
        %sign3A_137 = arith.cmpi slt, %jit3A, %sign3A_136 : i32
        %sign3A_138 = arith.extui %sign3A_137 : i1 to i32
        %sign3A_139 = arith.subi %sign3A_135, %sign3A_138 : i32
        %ne3A = arith.cmpi ne, %sign3A_132, %sign3A_139 : i32
        %rem3A = arith.remsi %add3A_126, %jit3A : i32
        %ne3A_140 = arith.constant 0 : i32
        %ne3A_141 = arith.cmpi ne, %rem3A, %ne3A_140 : i32
        %and3A = arith.andi %ne3A, %ne3A_141 : i1
        %sub3A = arith.constant 1 : i32
        %sub3A_142 = arith.subi %div3A, %sub3A : i32
        %select_n3A = arith.select %and3A, %sub3A_142, %div3A : i32
        %jit3A_143 = arith.constant 16 : i32
        %eq3A = arith.constant 0 : i32
        %eq3A_144 = arith.cmpi eq, %jit3A_143, %eq3A : i32
        %jit3A_145 = arith.constant 1 : i32
        %select_n3A_146 = arith.select %eq3A_144, %jit3A_145, %jit3A_143 : i32
        %rem3A_147 = arith.remsi %add3A_126, %select_n3A_146 : i32
        %ne3A_148 = arith.constant 0 : i32
        %ne3A_149 = arith.cmpi ne, %rem3A_147, %ne3A_148 : i32
        %lt3A = arith.constant 0 : i32
        %lt3A_150 = arith.cmpi slt, %rem3A_147, %lt3A : i32
        %lt3A_151 = arith.constant 0 : i32
        %lt3A_152 = arith.cmpi slt, %select_n3A_146, %lt3A_151 : i32
        %ne3A_153 = arith.xori %lt3A_150, %lt3A_152 : i1
        %and3A_154 = arith.andi %ne3A_153, %ne3A_149 : i1
        %add3A_155 = arith.addi %rem3A_147, %select_n3A_146 : i32
        %select_n3A_156 = arith.select %and3A_154, %add3A_155, %rem3A_147 : i32
        %broadcast_in_dim3A = arith.constant 0.000000e+00 : f32
        %broadcast_in_dim3A_157 = vector.broadcast %broadcast_in_dim3A : f32 to vector<16xf32>
        %scan3A_158 = arith.constant 0 : i32
        %scan3A_159 = arith.constant 64 : i32
        %scan3A_160 = arith.addi %scan3A_158, %scan3A_159 : i32
        %scan3A_161 = arith.constant 4 : i32
        %scan3A_162:2 = scf.for %scan3A_305 = %scan3A_158 to %scan3A_160 step %scan3A_161 iter_args(%scan3A_306 = %broadcast_in_dim3A_157, %scan3A_307 = %broadcast_in_dim3A_157) -> (vector<16xf32>, vector<16xf32>)  : i32 {
          %mul3A_308 = arith.constant 16 : i32
          %mul3A_309 = arith.muli %scan3A_305, %mul3A_308 : i32
          %get3A = arith.index_cast %select_n3A : i32 to index
          %get3A_310 = arith.index_cast %select_n3A_156 : i32 to index
          %get3A_311 = arith.index_cast %mul3A_309 : i32 to index
          %get3A_312 = tpu.vector_load %arg12[%get3A, %get3A_310, %get3A_311] {strides = array<i32>} : memref<4x16x1024xf32, #tpu.memory_space<vmem>>, vector<1x1x16xf32>,
          %get3A_313 = vector.shape_cast %get3A_312 : vector<1x1x16xf32> to vector<16xf32>
          %mul3A_314 = arith.constant 16 : i32
          %mul3A_315 = arith.muli %scan3A_305, %mul3A_314 : i32
          %get3A_316 = arith.index_cast %select_n3A_156 : i32 to index
          %get3A_317 = arith.index_cast %mul3A_315 : i32 to index
          %get3A_318 = tpu.vector_load %arg9[%get3A_316, %get3A_317] {strides = array<i32>} : memref<16x1024xf32, #tpu.memory_space<vmem>>, vector<1x16xf32>,
          %get3A_319 = vector.shape_cast %get3A_318 : vector<1x16xf32> to vector<16xf32>
          %add3A_320 = arith.addf %get3A_313, %get3A_319 : vector<16xf32>
          %mul3A_321 = arith.constant 16 : i32
          %mul3A_322 = arith.muli %scan3A_305, %mul3A_321 : i32
          %swap3A = arith.index_cast %select_n3A : i32 to index
          %swap3A_323 = arith.index_cast %select_n3A_156 : i32 to index
          %swap3A_324 = arith.index_cast %mul3A_322 : i32 to index
          %swap3A_325 = tpu.vector_load %arg12[%swap3A, %swap3A_323, %swap3A_324] {strides = array<i32>} : memref<4x16x1024xf32, #tpu.memory_space<vmem>>, vector<1x1x16xf32>,
          %swap3A_326 = vector.shape_cast %swap3A_325 : vector<1x1x16xf32> to vector<16xf32>
          %swap3A_327 = vector.shape_cast %add3A_320 : vector<16xf32> to vector<1x1x16xf32>
          tpu.vector_store %arg12[%swap3A, %swap3A_323, %swap3A_324], %swap3A_327 {strides = array<i32>} : memref<4x16x1024xf32, #tpu.memory_space<vmem>>, vector<1x1x16xf32>,
          %add3A_328 = arith.addf %scan3A_306, %add3A_320 : vector<16xf32>
          %mul3A_329 = arith.mulf %add3A_320, %add3A_320 : vector<16xf32>
          %add3A_330 = arith.addf %scan3A_307, %mul3A_329 : vector<16xf32>
          %scan3A_331 = arith.constant 1 : i32
          %scan3A_332 = arith.addi %scan3A_305, %scan3A_331 : i32
          %mul3A_333 = arith.constant 16 : i32
          %mul3A_334 = arith.muli %scan3A_332, %mul3A_333 : i32
          %get3A_335 = arith.index_cast %select_n3A : i32 to index
          %get3A_336 = arith.index_cast %select_n3A_156 : i32 to index
          %get3A_337 = arith.index_cast %mul3A_334 : i32 to index
          %get3A_338 = tpu.vector_load %arg12[%get3A_335, %get3A_336, %get3A_337] {strides = array<i32>} : memref<4x16x1024xf32, #tpu.memory_space<vmem>>, vector<1x1x16xf32>,
          %get3A_339 = vector.shape_cast %get3A_338 : vector<1x1x16xf32> to vector<16xf32>
          %mul3A_340 = arith.constant 16 : i32
          %mul3A_341 = arith.muli %scan3A_332, %mul3A_340 : i32
          %get3A_342 = arith.index_cast %select_n3A_156 : i32 to index
          %get3A_343 = arith.index_cast %mul3A_341 : i32 to index
          %get3A_344 = tpu.vector_load %arg9[%get3A_342, %get3A_343] {strides = array<i32>} : memref<16x1024xf32, #tpu.memory_space<vmem>>, vector<1x16xf32>,
          %get3A_345 = vector.shape_cast %get3A_344 : vector<1x16xf32> to vector<16xf32>
          %add3A_346 = arith.addf %get3A_339, %get3A_345 : vector<16xf32>
          %mul3A_347 = arith.constant 16 : i32
          %mul3A_348 = arith.muli %scan3A_332, %mul3A_347 : i32
          %swap3A_349 = arith.index_cast %select_n3A : i32 to index
          %swap3A_350 = arith.index_cast %select_n3A_156 : i32 to index
          %swap3A_351 = arith.index_cast %mul3A_348 : i32 to index
          %swap3A_352 = tpu.vector_load %arg12[%swap3A_349, %swap3A_350, %swap3A_351] {strides = array<i32>} : memref<4x16x1024xf32, #tpu.memory_space<vmem>>, vector<1x1x16xf32>,
          %swap3A_353 = vector.shape_cast %swap3A_352 : vector<1x1x16xf32> to vector<16xf32>
          %swap3A_354 = vector.shape_cast %add3A_346 : vector<16xf32> to vector<1x1x16xf32>
          tpu.vector_store %arg12[%swap3A_349, %swap3A_350, %swap3A_351], %swap3A_354 {strides = array<i32>} : memref<4x16x1024xf32, #tpu.memory_space<vmem>>, vector<1x1x16xf32>,
          %add3A_355 = arith.addf %add3A_328, %add3A_346 : vector<16xf32>
          %mul3A_356 = arith.mulf %add3A_346, %add3A_346 : vector<16xf32>
          %add3A_357 = arith.addf %add3A_330, %mul3A_356 : vector<16xf32>
          %scan3A_358 = arith.constant 2 : i32
          %scan3A_359 = arith.addi %scan3A_305, %scan3A_358 : i32
          %mul3A_360 = arith.constant 16 : i32
          %mul3A_361 = arith.muli %scan3A_359, %mul3A_360 : i32
          %get3A_362 = arith.index_cast %select_n3A : i32 to index
          %get3A_363 = arith.index_cast %select_n3A_156 : i32 to index
          %get3A_364 = arith.index_cast %mul3A_361 : i32 to index
          %get3A_365 = tpu.vector_load %arg12[%get3A_362, %get3A_363, %get3A_364] {strides = array<i32>} : memref<4x16x1024xf32, #tpu.memory_space<vmem>>, vector<1x1x16xf32>,
          %get3A_366 = vector.shape_cast %get3A_365 : vector<1x1x16xf32> to vector<16xf32>
          %mul3A_367 = arith.constant 16 : i32
          %mul3A_368 = arith.muli %scan3A_359, %mul3A_367 : i32
          %get3A_369 = arith.index_cast %select_n3A_156 : i32 to index
          %get3A_370 = arith.index_cast %mul3A_368 : i32 to index
          %get3A_371 = tpu.vector_load %arg9[%get3A_369, %get3A_370] {strides = array<i32>} : memref<16x1024xf32, #tpu.memory_space<vmem>>, vector<1x16xf32>,
          %get3A_372 = vector.shape_cast %get3A_371 : vector<1x16xf32> to vector<16xf32>
          %add3A_373 = arith.addf %get3A_366, %get3A_372 : vector<16xf32>
          %mul3A_374 = arith.constant 16 : i32
          %mul3A_375 = arith.muli %scan3A_359, %mul3A_374 : i32
          %swap3A_376 = arith.index_cast %select_n3A : i32 to index
          %swap3A_377 = arith.index_cast %select_n3A_156 : i32 to index
          %swap3A_378 = arith.index_cast %mul3A_375 : i32 to index
          %swap3A_379 = tpu.vector_load %arg12[%swap3A_376, %swap3A_377, %swap3A_378] {strides = array<i32>} : memref<4x16x1024xf32, #tpu.memory_space<vmem>>, vector<1x1x16xf32>,
          %swap3A_380 = vector.shape_cast %swap3A_379 : vector<1x1x16xf32> to vector<16xf32>
          %swap3A_381 = vector.shape_cast %add3A_373 : vector<16xf32> to vector<1x1x16xf32>
          tpu.vector_store %arg12[%swap3A_376, %swap3A_377, %swap3A_378], %swap3A_381 {strides = array<i32>} : memref<4x16x1024xf32, #tpu.memory_space<vmem>>, vector<1x1x16xf32>,
          %add3A_382 = arith.addf %add3A_355, %add3A_373 : vector<16xf32>
          %mul3A_383 = arith.mulf %add3A_373, %add3A_373 : vector<16xf32>
          %add3A_384 = arith.addf %add3A_357, %mul3A_383 : vector<16xf32>
          %scan3A_385 = arith.constant 3 : i32
          %scan3A_386 = arith.addi %scan3A_305, %scan3A_385 : i32
          %mul3A_387 = arith.constant 16 : i32
          %mul3A_388 = arith.muli %scan3A_386, %mul3A_387 : i32
          %get3A_389 = arith.index_cast %select_n3A : i32 to index
          %get3A_390 = arith.index_cast %select_n3A_156 : i32 to index
          %get3A_391 = arith.index_cast %mul3A_388 : i32 to index
          %get3A_392 = tpu.vector_load %arg12[%get3A_389, %get3A_390, %get3A_391] {strides = array<i32>} : memref<4x16x1024xf32, #tpu.memory_space<vmem>>, vector<1x1x16xf32>,
          %get3A_393 = vector.shape_cast %get3A_392 : vector<1x1x16xf32> to vector<16xf32>
          %mul3A_394 = arith.constant 16 : i32
          %mul3A_395 = arith.muli %scan3A_386, %mul3A_394 : i32
          %get3A_396 = arith.index_cast %select_n3A_156 : i32 to index
          %get3A_397 = arith.index_cast %mul3A_395 : i32 to index
          %get3A_398 = tpu.vector_load %arg9[%get3A_396, %get3A_397] {strides = array<i32>} : memref<16x1024xf32, #tpu.memory_space<vmem>>, vector<1x16xf32>,
          %get3A_399 = vector.shape_cast %get3A_398 : vector<1x16xf32> to vector<16xf32>
          %add3A_400 = arith.addf %get3A_393, %get3A_399 : vector<16xf32>
          %mul3A_401 = arith.constant 16 : i32
          %mul3A_402 = arith.muli %scan3A_386, %mul3A_401 : i32
          %swap3A_403 = arith.index_cast %select_n3A : i32 to index
          %swap3A_404 = arith.index_cast %select_n3A_156 : i32 to index
          %swap3A_405 = arith.index_cast %mul3A_402 : i32 to index
          %swap3A_406 = tpu.vector_load %arg12[%swap3A_403, %swap3A_404, %swap3A_405] {strides = array<i32>} : memref<4x16x1024xf32, #tpu.memory_space<vmem>>, vector<1x1x16xf32>,
          %swap3A_407 = vector.shape_cast %swap3A_406 : vector<1x1x16xf32> to vector<16xf32>
          %swap3A_408 = vector.shape_cast %add3A_400 : vector<16xf32> to vector<1x1x16xf32>
          tpu.vector_store %arg12[%swap3A_403, %swap3A_404, %swap3A_405], %swap3A_408 {strides = array<i32>} : memref<4x16x1024xf32, #tpu.memory_space<vmem>>, vector<1x1x16xf32>,
          %add3A_409 = arith.addf %add3A_382, %add3A_400 : vector<16xf32>
          %mul3A_410 = arith.mulf %add3A_400, %add3A_400 : vector<16xf32>
          %add3A_411 = arith.addf %add3A_384, %mul3A_410 : vector<16xf32>
          scf.yield %add3A_409, %add3A_411 : vector<16xf32>, vector<16xf32>
        }
        %scan3A_163 = arith.constant 64 : i32
        %iota3A = tpu.iota {dimensions = array<i32: 0>} : vector<16xi32>
        %xor3A = arith.constant 8 : i32
        %xor3A_164 = vector.broadcast %xor3A : i32 to vector<16xi32>
        %xor3A_165 = arith.xori %iota3A, %xor3A_164 : vector<16xi32>
        %lt3A_166 = arith.constant 0 : i32
        %lt3A_167 = vector.broadcast %lt3A_166 : i32 to vector<16xi32>
        %lt3A_168 = arith.cmpi slt, %xor3A_165, %lt3A_167 : vector<16xi32>
        %add3A_169 = arith.constant 16 : i32
        %add3A_170 = vector.broadcast %add3A_169 : i32 to vector<16xi32>
        %add3A_171 = arith.addi %xor3A_165, %add3A_170 : vector<16xi32>
        %select_n3A_172 = arith.select %lt3A_168, %add3A_171, %xor3A_165 : vector<16xi1>, vector<16xi32>
        %broadcast_in_dim3A_173 = vector.shape_cast %select_n3A_172 : vector<16xi32> to vector<16x1xi32>
        %gather3A = vector.shape_cast %broadcast_in_dim3A_173 : vector<16x1xi32> to vector<16xi32>
        %gather3A_174 = tpu.dynamic_gather %scan3A_162#0[%gather3A] in [0] : vector<16xf32>, vector<16xi32> -> vector<16xf32>
        %add3A_175 = arith.addf %scan3A_162#0, %gather3A_174 : vector<16xf32>
        %lt3A_176 = arith.constant 0 : i32
        %lt3A_177 = vector.broadcast %lt3A_176 : i32 to vector<16xi32>
        %lt3A_178 = arith.cmpi slt, %xor3A_165, %lt3A_177 : vector<16xi32>
        %add3A_179 = arith.constant 16 : i32
        %add3A_180 = vector.broadcast %add3A_179 : i32 to vector<16xi32>
        %add3A_181 = arith.addi %xor3A_165, %add3A_180 : vector<16xi32>
        %select_n3A_182 = arith.select %lt3A_178, %add3A_181, %xor3A_165 : vector<16xi1>, vector<16xi32>
        %broadcast_in_dim3A_183 = vector.shape_cast %select_n3A_182 : vector<16xi32> to vector<16x1xi32>
        %gather3A_184 = vector.shape_cast %broadcast_in_dim3A_183 : vector<16x1xi32> to vector<16xi32>
        %gather3A_185 = tpu.dynamic_gather %scan3A_162#1[%gather3A_184] in [0] : vector<16xf32>, vector<16xi32> -> vector<16xf32>
        %add3A_186 = arith.addf %scan3A_162#1, %gather3A_185 : vector<16xf32>
        %xor3A_187 = arith.constant 4 : i32
        %xor3A_188 = vector.broadcast %xor3A_187 : i32 to vector<16xi32>
        %xor3A_189 = arith.xori %iota3A, %xor3A_188 : vector<16xi32>
        %lt3A_190 = arith.constant 0 : i32
        %lt3A_191 = vector.broadcast %lt3A_190 : i32 to vector<16xi32>
        %lt3A_192 = arith.cmpi slt, %xor3A_189, %lt3A_191 : vector<16xi32>
        %add3A_193 = arith.constant 16 : i32
        %add3A_194 = vector.broadcast %add3A_193 : i32 to vector<16xi32>
        %add3A_195 = arith.addi %xor3A_189, %add3A_194 : vector<16xi32>
        %select_n3A_196 = arith.select %lt3A_192, %add3A_195, %xor3A_189 : vector<16xi1>, vector<16xi32>
        %broadcast_in_dim3A_197 = vector.shape_cast %select_n3A_196 : vector<16xi32> to vector<16x1xi32>
        %gather3A_198 = vector.shape_cast %broadcast_in_dim3A_197 : vector<16x1xi32> to vector<16xi32>
        %gather3A_199 = tpu.dynamic_gather %add3A_175[%gather3A_198] in [0] : vector<16xf32>, vector<16xi32> -> vector<16xf32>
        %add3A_200 = arith.addf %add3A_175, %gather3A_199 : vector<16xf32>
        %lt3A_201 = arith.constant 0 : i32
        %lt3A_202 = vector.broadcast %lt3A_201 : i32 to vector<16xi32>
        %lt3A_203 = arith.cmpi slt, %xor3A_189, %lt3A_202 : vector<16xi32>
        %add3A_204 = arith.constant 16 : i32
        %add3A_205 = vector.broadcast %add3A_204 : i32 to vector<16xi32>
        %add3A_206 = arith.addi %xor3A_189, %add3A_205 : vector<16xi32>
        %select_n3A_207 = arith.select %lt3A_203, %add3A_206, %xor3A_189 : vector<16xi1>, vector<16xi32>
        %broadcast_in_dim3A_208 = vector.shape_cast %select_n3A_207 : vector<16xi32> to vector<16x1xi32>
        %gather3A_209 = vector.shape_cast %broadcast_in_dim3A_208 : vector<16x1xi32> to vector<16xi32>
        %gather3A_210 = tpu.dynamic_gather %add3A_186[%gather3A_209] in [0] : vector<16xf32>, vector<16xi32> -> vector<16xf32>
        %add3A_211 = arith.addf %add3A_186, %gather3A_210 : vector<16xf32>
        %xor3A_212 = arith.constant 2 : i32
        %xor3A_213 = vector.broadcast %xor3A_212 : i32 to vector<16xi32>
        %xor3A_214 = arith.xori %iota3A, %xor3A_213 : vector<16xi32>
        %lt3A_215 = arith.constant 0 : i32
        %lt3A_216 = vector.broadcast %lt3A_215 : i32 to vector<16xi32>
        %lt3A_217 = arith.cmpi slt, %xor3A_214, %lt3A_216 : vector<16xi32>
        %add3A_218 = arith.constant 16 : i32
        %add3A_219 = vector.broadcast %add3A_218 : i32 to vector<16xi32>
        %add3A_220 = arith.addi %xor3A_214, %add3A_219 : vector<16xi32>
        %select_n3A_221 = arith.select %lt3A_217, %add3A_220, %xor3A_214 : vector<16xi1>, vector<16xi32>
        %broadcast_in_dim3A_222 = vector.shape_cast %select_n3A_221 : vector<16xi32> to vector<16x1xi32>
        %gather3A_223 = vector.shape_cast %broadcast_in_dim3A_222 : vector<16x1xi32> to vector<16xi32>
        %gather3A_224 = tpu.dynamic_gather %add3A_200[%gather3A_223] in [0] : vector<16xf32>, vector<16xi32> -> vector<16xf32>
        %add3A_225 = arith.addf %add3A_200, %gather3A_224 : vector<16xf32>
        %lt3A_226 = arith.constant 0 : i32
        %lt3A_227 = vector.broadcast %lt3A_226 : i32 to vector<16xi32>
        %lt3A_228 = arith.cmpi slt, %xor3A_214, %lt3A_227 : vector<16xi32>
        %add3A_229 = arith.constant 16 : i32
        %add3A_230 = vector.broadcast %add3A_229 : i32 to vector<16xi32>
        %add3A_231 = arith.addi %xor3A_214, %add3A_230 : vector<16xi32>
        %select_n3A_232 = arith.select %lt3A_228, %add3A_231, %xor3A_214 : vector<16xi1>, vector<16xi32>
        %broadcast_in_dim3A_233 = vector.shape_cast %select_n3A_232 : vector<16xi32> to vector<16x1xi32>
        %gather3A_234 = vector.shape_cast %broadcast_in_dim3A_233 : vector<16x1xi32> to vector<16xi32>
        %gather3A_235 = tpu.dynamic_gather %add3A_211[%gather3A_234] in [0] : vector<16xf32>, vector<16xi32> -> vector<16xf32>
        %add3A_236 = arith.addf %add3A_211, %gather3A_235 : vector<16xf32>
        %xor3A_237 = arith.constant 1 : i32
        %xor3A_238 = vector.broadcast %xor3A_237 : i32 to vector<16xi32>
        %xor3A_239 = arith.xori %iota3A, %xor3A_238 : vector<16xi32>
        %lt3A_240 = arith.constant 0 : i32
        %lt3A_241 = vector.broadcast %lt3A_240 : i32 to vector<16xi32>
        %lt3A_242 = arith.cmpi slt, %xor3A_239, %lt3A_241 : vector<16xi32>
        %add3A_243 = arith.constant 16 : i32
        %add3A_244 = vector.broadcast %add3A_243 : i32 to vector<16xi32>
        %add3A_245 = arith.addi %xor3A_239, %add3A_244 : vector<16xi32>
        %select_n3A_246 = arith.select %lt3A_242, %add3A_245, %xor3A_239 : vector<16xi1>, vector<16xi32>
        %broadcast_in_dim3A_247 = vector.shape_cast %select_n3A_246 : vector<16xi32> to vector<16x1xi32>
        %gather3A_248 = vector.shape_cast %broadcast_in_dim3A_247 : vector<16x1xi32> to vector<16xi32>
        %gather3A_249 = tpu.dynamic_gather %add3A_225[%gather3A_248] in [0] : vector<16xf32>, vector<16xi32> -> vector<16xf32>
        %add3A_250 = arith.addf %add3A_225, %gather3A_249 : vector<16xf32>
        %lt3A_251 = arith.constant 0 : i32
        %lt3A_252 = vector.broadcast %lt3A_251 : i32 to vector<16xi32>
        %lt3A_253 = arith.cmpi slt, %xor3A_239, %lt3A_252 : vector<16xi32>
        %add3A_254 = arith.constant 16 : i32
        %add3A_255 = vector.broadcast %add3A_254 : i32 to vector<16xi32>
        %add3A_256 = arith.addi %xor3A_239, %add3A_255 : vector<16xi32>
        %select_n3A_257 = arith.select %lt3A_253, %add3A_256, %xor3A_239 : vector<16xi1>, vector<16xi32>
        %broadcast_in_dim3A_258 = vector.shape_cast %select_n3A_257 : vector<16xi32> to vector<16x1xi32>
        %gather3A_259 = vector.shape_cast %broadcast_in_dim3A_258 : vector<16x1xi32> to vector<16xi32>
        %gather3A_260 = tpu.dynamic_gather %add3A_236[%gather3A_259] in [0] : vector<16xf32>, vector<16xi32> -> vector<16xf32>
        %add3A_261 = arith.addf %add3A_236, %gather3A_260 : vector<16xf32>
        %mul3A_262 = vector.broadcast %scan3A : f32 to vector<16xf32>
        %mul3A_263 = arith.mulf %add3A_250, %mul3A_262 : vector<16xf32>
        %mul3A_264 = vector.broadcast %scan3A : f32 to vector<16xf32>
        %mul3A_265 = arith.mulf %add3A_261, %mul3A_264 : vector<16xf32>
        %mul3A_266 = arith.mulf %mul3A_263, %mul3A_263 : vector<16xf32>
        %sub3A_267 = arith.subf %mul3A_265, %mul3A_266 : vector<16xf32>
        %add3A_268 = arith.constant 1.000000e-07 : f32
        %add3A_269 = vector.broadcast %add3A_268 : f32 to vector<16xf32>
        %add3A_270 = arith.addf %sub3A_267, %add3A_269 : vector<16xf32>
        %bitcast_convert_type3A = tpu.bitcast %add3A_270 : vector<16xf32> -> vector<16xi32>
        %shift_right_arithmetic3A = arith.constant 1 : i32
        %shift_right_arithmetic3A_271 = vector.broadcast %shift_right_arithmetic3A : i32 to vector<16xi32>
        %shift_right_arithmetic3A_272 = arith.shrsi %bitcast_convert_type3A, %shift_right_arithmetic3A_271 : vector<16xi32>
        %sub3A_273 = arith.constant 1597463007 : i32
        %sub3A_274 = vector.broadcast %sub3A_273 : i32 to vector<16xi32>
        %sub3A_275 = arith.subi %sub3A_274, %shift_right_arithmetic3A_272 : vector<16xi32>
        %bitcast_convert_type3A_276 = tpu.bitcast %sub3A_275 : vector<16xi32> -> vector<16xf32>
        %mul3A_277 = arith.constant 5.000000e-01 : f32
        %mul3A_278 = vector.broadcast %mul3A_277 : f32 to vector<16xf32>
        %mul3A_279 = arith.mulf %add3A_270, %mul3A_278 : vector<16xf32>
        %mul3A_280 = arith.mulf %mul3A_279, %bitcast_convert_type3A_276 : vector<16xf32>
        %mul3A_281 = arith.mulf %mul3A_280, %bitcast_convert_type3A_276 : vector<16xf32>
        %sub3A_282 = arith.constant 1.500000e+00 : f32
        %sub3A_283 = vector.broadcast %sub3A_282 : f32 to vector<16xf32>
        %sub3A_284 = arith.subf %sub3A_283, %mul3A_281 : vector<16xf32>
        %mul3A_285 = arith.mulf %bitcast_convert_type3A_276, %sub3A_284 : vector<16xf32>
        %mul3A_286 = arith.mulf %mul3A_279, %mul3A_285 : vector<16xf32>
        %mul3A_287 = arith.mulf %mul3A_286, %mul3A_285 : vector<16xf32>
        %sub3A_288 = arith.constant 1.500000e+00 : f32
        %sub3A_289 = vector.broadcast %sub3A_288 : f32 to vector<16xf32>
        %sub3A_290 = arith.subf %sub3A_289, %mul3A_287 : vector<16xf32>
        %mul3A_291 = arith.mulf %mul3A_285, %sub3A_290 : vector<16xf32>
        %mul3A_292 = arith.mulf %mul3A_279, %mul3A_291 : vector<16xf32>
        %mul3A_293 = arith.mulf %mul3A_292, %mul3A_291 : vector<16xf32>
        %sub3A_294 = arith.constant 1.500000e+00 : f32
        %sub3A_295 = vector.broadcast %sub3A_294 : f32 to vector<16xf32>
        %sub3A_296 = arith.subf %sub3A_295, %mul3A_293 : vector<16xf32>
        %mul3A_297 = arith.mulf %mul3A_291, %sub3A_296 : vector<16xf32>
        %scan3A_298 = arith.constant 0 : i32
        %scan3A_299 = arith.constant 0 : i32
        %scan3A_300 = arith.constant 64 : i32
        %scan3A_301 = arith.addi %scan3A_299, %scan3A_300 : i32
        %scan3A_302 = arith.constant 4 : i32
        %scan3A_303 = scf.for %scan3A_305 = %scan3A_299 to %scan3A_301 step %scan3A_302 iter_args(%scan3A_306 = %scan3A_298) -> (i32)  : i32 {
          %mul3A_307 = arith.constant 16 : i32
          %mul3A_308 = arith.muli %scan3A_305, %mul3A_307 : i32
          %get3A = arith.index_cast %select_n3A : i32 to index
          %get3A_309 = arith.index_cast %select_n3A_156 : i32 to index
          %get3A_310 = arith.index_cast %mul3A_308 : i32 to index
          %get3A_311 = tpu.vector_load %arg12[%get3A, %get3A_309, %get3A_310] {strides = array<i32>} : memref<4x16x1024xf32, #tpu.memory_space<vmem>>, vector<1x1x16xf32>,
          %get3A_312 = vector.shape_cast %get3A_311 : vector<1x1x16xf32> to vector<16xf32>
          %mul3A_313 = arith.constant 16 : i32
          %mul3A_314 = arith.muli %scan3A_305, %mul3A_313 : i32
          %get3A_315 = arith.index_cast %mul3A_314 : i32 to index
          %get3A_316 = tpu.vector_load %arg10[%get3A_315] {strides = array<i32>} : memref<1024xf32, #tpu.memory_space<vmem>>, vector<16xf32>,
          %get3A_317 = vector.shape_cast %get3A_316 : vector<16xf32> to vector<16xf32>
          %mul3A_318 = arith.constant 16 : i32
          %mul3A_319 = arith.muli %scan3A_305, %mul3A_318 : i32
          %get3A_320 = arith.index_cast %mul3A_319 : i32 to index
          %get3A_321 = tpu.vector_load %arg11[%get3A_320] {strides = array<i32>} : memref<1024xf32, #tpu.memory_space<vmem>>, vector<16xf32>,
          %get3A_322 = vector.shape_cast %get3A_321 : vector<16xf32> to vector<16xf32>
          %sub3A_323 = arith.subf %get3A_312, %mul3A_263 : vector<16xf32>
          %mul3A_324 = arith.mulf %sub3A_323, %mul3A_297 : vector<16xf32>
          %mul3A_325 = arith.mulf %mul3A_324, %get3A_317 : vector<16xf32>
          %add3A_326 = arith.addf %mul3A_325, %get3A_322 : vector<16xf32>
          %mul3A_327 = arith.constant 16 : i32
          %mul3A_328 = arith.muli %scan3A_305, %mul3A_327 : i32
          %swap3A = arith.index_cast %select_n3A : i32 to index
          %swap3A_329 = arith.index_cast %select_n3A_156 : i32 to index
          %swap3A_330 = arith.index_cast %mul3A_328 : i32 to index
          %swap3A_331 = tpu.vector_load %arg12[%swap3A, %swap3A_329, %swap3A_330] {strides = array<i32>} : memref<4x16x1024xf32, #tpu.memory_space<vmem>>, vector<1x1x16xf32>,
          %swap3A_332 = vector.shape_cast %swap3A_331 : vector<1x1x16xf32> to vector<16xf32>
          %swap3A_333 = vector.shape_cast %add3A_326 : vector<16xf32> to vector<1x1x16xf32>
          tpu.vector_store %arg12[%swap3A, %swap3A_329, %swap3A_330], %swap3A_333 {strides = array<i32>} : memref<4x16x1024xf32, #tpu.memory_space<vmem>>, vector<1x1x16xf32>,
          %scan3A_334 = arith.constant 0 : i32
          %scan3A_335 = arith.constant 1 : i32
          %scan3A_336 = arith.addi %scan3A_305, %scan3A_335 : i32
          %mul3A_337 = arith.constant 16 : i32
          %mul3A_338 = arith.muli %scan3A_336, %mul3A_337 : i32
          %get3A_339 = arith.index_cast %select_n3A : i32 to index
          %get3A_340 = arith.index_cast %select_n3A_156 : i32 to index
          %get3A_341 = arith.index_cast %mul3A_338 : i32 to index
          %get3A_342 = tpu.vector_load %arg12[%get3A_339, %get3A_340, %get3A_341] {strides = array<i32>} : memref<4x16x1024xf32, #tpu.memory_space<vmem>>, vector<1x1x16xf32>,
          %get3A_343 = vector.shape_cast %get3A_342 : vector<1x1x16xf32> to vector<16xf32>
          %mul3A_344 = arith.constant 16 : i32
          %mul3A_345 = arith.muli %scan3A_336, %mul3A_344 : i32
          %get3A_346 = arith.index_cast %mul3A_345 : i32 to index
          %get3A_347 = tpu.vector_load %arg10[%get3A_346] {strides = array<i32>} : memref<1024xf32, #tpu.memory_space<vmem>>, vector<16xf32>,
          %get3A_348 = vector.shape_cast %get3A_347 : vector<16xf32> to vector<16xf32>
          %mul3A_349 = arith.constant 16 : i32
          %mul3A_350 = arith.muli %scan3A_336, %mul3A_349 : i32
          %get3A_351 = arith.index_cast %mul3A_350 : i32 to index
          %get3A_352 = tpu.vector_load %arg11[%get3A_351] {strides = array<i32>} : memref<1024xf32, #tpu.memory_space<vmem>>, vector<16xf32>,
          %get3A_353 = vector.shape_cast %get3A_352 : vector<16xf32> to vector<16xf32>
          %sub3A_354 = arith.subf %get3A_343, %mul3A_263 : vector<16xf32>
          %mul3A_355 = arith.mulf %sub3A_354, %mul3A_297 : vector<16xf32>
          %mul3A_356 = arith.mulf %mul3A_355, %get3A_348 : vector<16xf32>
          %add3A_357 = arith.addf %mul3A_356, %get3A_353 : vector<16xf32>
          %mul3A_358 = arith.constant 16 : i32
          %mul3A_359 = arith.muli %scan3A_336, %mul3A_358 : i32
          %swap3A_360 = arith.index_cast %select_n3A : i32 to index
          %swap3A_361 = arith.index_cast %select_n3A_156 : i32 to index
          %swap3A_362 = arith.index_cast %mul3A_359 : i32 to index
          %swap3A_363 = tpu.vector_load %arg12[%swap3A_360, %swap3A_361, %swap3A_362] {strides = array<i32>} : memref<4x16x1024xf32, #tpu.memory_space<vmem>>, vector<1x1x16xf32>,
          %swap3A_364 = vector.shape_cast %swap3A_363 : vector<1x1x16xf32> to vector<16xf32>
          %swap3A_365 = vector.shape_cast %add3A_357 : vector<16xf32> to vector<1x1x16xf32>
          tpu.vector_store %arg12[%swap3A_360, %swap3A_361, %swap3A_362], %swap3A_365 {strides = array<i32>} : memref<4x16x1024xf32, #tpu.memory_space<vmem>>, vector<1x1x16xf32>,
          %scan3A_366 = arith.constant 0 : i32
          %scan3A_367 = arith.constant 2 : i32
          %scan3A_368 = arith.addi %scan3A_305, %scan3A_367 : i32
          %mul3A_369 = arith.constant 16 : i32
          %mul3A_370 = arith.muli %scan3A_368, %mul3A_369 : i32
          %get3A_371 = arith.index_cast %select_n3A : i32 to index
          %get3A_372 = arith.index_cast %select_n3A_156 : i32 to index
          %get3A_373 = arith.index_cast %mul3A_370 : i32 to index
          %get3A_374 = tpu.vector_load %arg12[%get3A_371, %get3A_372, %get3A_373] {strides = array<i32>} : memref<4x16x1024xf32, #tpu.memory_space<vmem>>, vector<1x1x16xf32>,
          %get3A_375 = vector.shape_cast %get3A_374 : vector<1x1x16xf32> to vector<16xf32>
          %mul3A_376 = arith.constant 16 : i32
          %mul3A_377 = arith.muli %scan3A_368, %mul3A_376 : i32
          %get3A_378 = arith.index_cast %mul3A_377 : i32 to index
          %get3A_379 = tpu.vector_load %arg10[%get3A_378] {strides = array<i32>} : memref<1024xf32, #tpu.memory_space<vmem>>, vector<16xf32>,
          %get3A_380 = vector.shape_cast %get3A_379 : vector<16xf32> to vector<16xf32>
          %mul3A_381 = arith.constant 16 : i32
          %mul3A_382 = arith.muli %scan3A_368, %mul3A_381 : i32
          %get3A_383 = arith.index_cast %mul3A_382 : i32 to index
          %get3A_384 = tpu.vector_load %arg11[%get3A_383] {strides = array<i32>} : memref<1024xf32, #tpu.memory_space<vmem>>, vector<16xf32>,
          %get3A_385 = vector.shape_cast %get3A_384 : vector<16xf32> to vector<16xf32>
          %sub3A_386 = arith.subf %get3A_375, %mul3A_263 : vector<16xf32>
          %mul3A_387 = arith.mulf %sub3A_386, %mul3A_297 : vector<16xf32>
          %mul3A_388 = arith.mulf %mul3A_387, %get3A_380 : vector<16xf32>
          %add3A_389 = arith.addf %mul3A_388, %get3A_385 : vector<16xf32>
          %mul3A_390 = arith.constant 16 : i32
          %mul3A_391 = arith.muli %scan3A_368, %mul3A_390 : i32
          %swap3A_392 = arith.index_cast %select_n3A : i32 to index
          %swap3A_393 = arith.index_cast %select_n3A_156 : i32 to index
          %swap3A_394 = arith.index_cast %mul3A_391 : i32 to index
          %swap3A_395 = tpu.vector_load %arg12[%swap3A_392, %swap3A_393, %swap3A_394] {strides = array<i32>} : memref<4x16x1024xf32, #tpu.memory_space<vmem>>, vector<1x1x16xf32>,
          %swap3A_396 = vector.shape_cast %swap3A_395 : vector<1x1x16xf32> to vector<16xf32>
          %swap3A_397 = vector.shape_cast %add3A_389 : vector<16xf32> to vector<1x1x16xf32>
          tpu.vector_store %arg12[%swap3A_392, %swap3A_393, %swap3A_394], %swap3A_397 {strides = array<i32>} : memref<4x16x1024xf32, #tpu.memory_space<vmem>>, vector<1x1x16xf32>,
          %scan3A_398 = arith.constant 0 : i32
          %scan3A_399 = arith.constant 3 : i32
          %scan3A_400 = arith.addi %scan3A_305, %scan3A_399 : i32
          %mul3A_401 = arith.constant 16 : i32
          %mul3A_402 = arith.muli %scan3A_400, %mul3A_401 : i32
          %get3A_403 = arith.index_cast %select_n3A : i32 to index
          %get3A_404 = arith.index_cast %select_n3A_156 : i32 to index
          %get3A_405 = arith.index_cast %mul3A_402 : i32 to index
          %get3A_406 = tpu.vector_load %arg12[%get3A_403, %get3A_404, %get3A_405] {strides = array<i32>} : memref<4x16x1024xf32, #tpu.memory_space<vmem>>, vector<1x1x16xf32>,
          %get3A_407 = vector.shape_cast %get3A_406 : vector<1x1x16xf32> to vector<16xf32>
          %mul3A_408 = arith.constant 16 : i32
          %mul3A_409 = arith.muli %scan3A_400, %mul3A_408 : i32
          %get3A_410 = arith.index_cast %mul3A_409 : i32 to index
          %get3A_411 = tpu.vector_load %arg10[%get3A_410] {strides = array<i32>} : memref<1024xf32, #tpu.memory_space<vmem>>, vector<16xf32>,
          %get3A_412 = vector.shape_cast %get3A_411 : vector<16xf32> to vector<16xf32>
          %mul3A_413 = arith.constant 16 : i32
          %mul3A_414 = arith.muli %scan3A_400, %mul3A_413 : i32
          %get3A_415 = arith.index_cast %mul3A_414 : i32 to index
          %get3A_416 = tpu.vector_load %arg11[%get3A_415] {strides = array<i32>} : memref<1024xf32, #tpu.memory_space<vmem>>, vector<16xf32>,
          %get3A_417 = vector.shape_cast %get3A_416 : vector<16xf32> to vector<16xf32>
          %sub3A_418 = arith.subf %get3A_407, %mul3A_263 : vector<16xf32>
          %mul3A_419 = arith.mulf %sub3A_418, %mul3A_297 : vector<16xf32>
          %mul3A_420 = arith.mulf %mul3A_419, %get3A_412 : vector<16xf32>
          %add3A_421 = arith.addf %mul3A_420, %get3A_417 : vector<16xf32>
          %mul3A_422 = arith.constant 16 : i32
          %mul3A_423 = arith.muli %scan3A_400, %mul3A_422 : i32
          %swap3A_424 = arith.index_cast %select_n3A : i32 to index
          %swap3A_425 = arith.index_cast %select_n3A_156 : i32 to index
          %swap3A_426 = arith.index_cast %mul3A_423 : i32 to index
          %swap3A_427 = tpu.vector_load %arg12[%swap3A_424, %swap3A_425, %swap3A_426] {strides = array<i32>} : memref<4x16x1024xf32, #tpu.memory_space<vmem>>, vector<1x1x16xf32>,
          %swap3A_428 = vector.shape_cast %swap3A_427 : vector<1x1x16xf32> to vector<16xf32>
          %swap3A_429 = vector.shape_cast %add3A_421 : vector<16xf32> to vector<1x1x16xf32>
          tpu.vector_store %arg12[%swap3A_424, %swap3A_425, %swap3A_426], %swap3A_429 {strides = array<i32>} : memref<4x16x1024xf32, #tpu.memory_space<vmem>>, vector<1x1x16xf32>,
          %scan3A_430 = arith.constant 0 : i32
          scf.yield %scan3A_430 : i32
        }
        %scan3A_304 = arith.constant 64 : i32
      }
      %scan3A_121 = arith.constant 64 : i32
      "tpu.region"() ({
        %run_scoped3A = tpu.sem_alloc : memref<!tpu.dma_semaphore, #tpu.memory_space<semaphore_mem>>
        %dma_start3A_122 = arith.constant 0 : i32
        %dma_start3A_123 = tpu.memref_slice %arg7[%mul3A_14, %mul3A_2, %dma_start3A_122] : memref<128x512x1024xf32, #tpu.memory_space<hbm>> -> memref<4x16x1024xf32, #tpu.memory_space<hbm>>
        %dma_start3A_124 = arith.constant 0 : i32
        %dma_start3A_125 = tpu.memref_slice %arg7[%mul3A_14, %mul3A_2, %dma_start3A_124] : memref<128x512x1024xf32, #tpu.memory_space<hbm>> -> memref<4x16x1024xf32, #tpu.memory_space<hbm>>
        tpu.enqueue_dma source(%arg12 : memref<4x16x1024xf32, #tpu.memory_space<vmem>>) target(%dma_start3A_125 : memref<4x16x1024xf32, #tpu.memory_space<hbm>>) target_semaphore(%run_scoped3A : memref<!tpu.dma_semaphore, #tpu.memory_space<semaphore_mem>>)
        %dma_wait3A_126 = arith.constant 0 : i32
        %dma_wait3A_127 = tpu.memref_slice %arg7[%mul3A_14, %mul3A_2, %dma_wait3A_126] : memref<128x512x1024xf32, #tpu.memory_space<hbm>> -> memref<4x16x1024xf32, #tpu.memory_space<hbm>>
        %dma_wait3A_128 = arith.constant 0 : i32
        %dma_wait3A_129 = tpu.memref_slice %arg7[%mul3A_14, %mul3A_2, %dma_wait3A_128] : memref<128x512x1024xf32, #tpu.memory_space<hbm>> -> memref<4x16x1024xf32, #tpu.memory_space<hbm>>
        tpu.wait_dma2 semaphore(%run_scoped3A : memref<!tpu.dma_semaphore, #tpu.memory_space<semaphore_mem>>) src(%arg12 : memref<4x16x1024xf32, #tpu.memory_space<vmem>>) dst(%dma_wait3A_129 : memref<4x16x1024xf32, #tpu.memory_space<hbm>>)
        tpu.yield
      }) : () -> ()
    }
    %scan3A_7 = arith.constant 32 : i32
    return
  }
}

</mosaic_0001>

<sc_bundles>
// kernel: kernel.3.cloned.1.call-start
scs
__scs_entry_jumppad:
0x0: {  	(pc) =	sbr.rel $0x88, $3  }
0x1: {  	(tag) =	ssettag $0x0;
	lr =	simm.s32 $0x1  }
0x2: {  	[smem:$0x3F9C] =	sst lr;
	_ =	strace $0xD0000000  }
0x3: {  	_ = 	snop  }
0x4: {  	_ = 	snop  }
0x5: {  	_ = 	snop  }
0x6: {  	_ = 	snop  }
0x7: {  	_ = 	snop  }
__scs_overlays_trampoline_lowered:
0x8: {  	[smem:$0x3FAB] =	sst s0  }
0x9: {  	[smem:$0x3FAC] =	sst s1  }
0xa: {  	[smem:$0x3FAD] =	sst s2  }
0xb: {  	[smem:$0x3FAE] =	sst s3  }
0xc: {  	[smem:$0x3FAF] =	sst s4  }
0xd: {  	[smem:$0x3FB0] =	sst s5  }
0xe: {  	[smem:$0x3FB1] =	sst s6  }
0xf: {  	[smem:$0x3FB2] =	sst s7  }
0x10: {  	[smem:$0x3FB3] =	sst s8  }
0x11: {  	[smem:$0x3FB4] =	sst s9;
	s0 =	simm.s32 @!p0 $0x0  }
0x12: {  	s1 =	sld [smem:$0x3F9A];
	s0 =	simm.s32 @p0 $0x1  }
0x13: {  	[smem:$0x3FB5] =	sst s0;
	s0 =	simm.s32 @!p1 $0x0  }
0x14: {  	s2 =	sld [smem:$0x3F99];
	s0 =	simm.s32 @p1 $0x1  }
0x15: {  	[smem:$0x3FB6] =	sst s0;
	s0 =	simm.s32 @!p2 $0x0  }
0x16: {  	s3 =	sld [smem:$0x3FDB];
	s0 =	simm.s32 @p2 $0x1  }
0x17: {  	s4 =	simm.s32 $0x1BF5;
	[smem:$0x3FB8] =	sst s0  }
0x18: {  	s0 =	sld [smem:$0x3F9B];
	_ =	swait.ge [sflag:s4], $0x0  }
0x19: {  	s7 =	sld [smem:$0x3F9C]  }
0x1a: {  	s8 =	sadd.s32 $0xFFFFE003, lr  }
0x1b: {  	s9 =	sadd.s32 $0xFFFFFEF7, lr;
	s5 =	simm.s32 $0xFFFFFFFF;
	p2 =	slt.u32 s8, $0xFFFFF086  }
0x1c: {  	p1 =	slt.u32 s9, $0xF7A;
	s5 =	simm.s32 @!p2 $0x0  }
0x1d: {  	s5 =	simm.s32 @p1 $0x1;
	p0 =	seq.s32 s7, s2  }
0x1e: {  	s7 =	smul.u32 @!p0 $0xF7A, s2;
	p2 =	seq.s32 @!p0 s5, $0x0  }
0x1f: {  	s9 =	smul.u32 $0xF7A, s1;
	s8 =	simm.s32 @!p0 $0x1BF5;
	p2 =	por !p2, p0  }
0x20: {  	[sflag:s8] =	ssyncset.s32 @!p0 $0xFFFFF086;
	s6 =	sadd.s32 @!p0 s3, s7;
	s7 =	simm.s32 @!p0 $0x108  }
0x21: {  	s3 =	sadd.s32 s3, s9;
	s6 =	sadd.s32 @!p0 $0x88, s6;
	s7 =	simm.s32 @p2 $0x1082  }
0x22: {  	[simem:s7], [sflag:s8] =	dma.local @!p0 [hbm:s6], $0xF7A  }
0x23: {  	s9 =	sor.u32 $0xD0000000, s2;
	s6 =	simm.s32 $0x108;
	_ =	swait.ge @!p0 [sflag:s8], $0x0  }
0x24: {  	s3 =	sadd.s32 $0x88, s3;
	s6 =	simm.s32 @!p1 $0x1082;
	[sflag:s4] =	ssyncset.s32 $0xFFFFF086  }
0x25: {  	[simem:s6], [sflag:s4] =	dma.local [hbm:s3], $0xF7A  }
0x26: {  	[smem:$0x3F9C] =	sst s1;
	(tag) =	ssettag s2;
	_ =	strace s9  }
0x27: {  	s1 =	sld [smem:$0x3FAC]  }
0x28: {  	s2 =	sld [smem:$0x3FAD]  }
0x29: {  	s4 =	sld [smem:$0x3FAF]  }
0x2a: {  	p0 =	seq.s32 s5, $0x0;
	s5 =	sld [smem:$0x3FB0]  }
0x2b: {  	s6 =	sld [smem:$0x3FB1]  }
0x2c: {  	s7 =	sld [smem:$0x3FB2]  }
0x2d: {  	s3 =	simm.s32 $0x108;
	s8 =	sld [smem:$0x3FB3]  }
0x2e: {  	s3 =	simm.s32 @!p0 $0x1082;
	s9 =	sld [smem:$0x3FB4]  }
0x2f: {  	lr =	sadd.s32 s0, s3;
	s0 =	sld [smem:$0x3FAB]  }
0x30: {  	s3 =	sld [smem:$0x3FAE]  }
0x31: {  	[smem:$0x3FB7] =	sst s10  }
0x32: {  	s10 =	sld [smem:$0x3FB5];
	_ =	sdelay $0x3  }
0x33: {  	p0 =	seq.s32 s10, $0x1;
	s10 =	sld [smem:$0x3FB7];
	_ =	sdelay $0x3  }
0x34: {  	[smem:$0x3FB7] =	sst s10  }
0x35: {  	s10 =	sld [smem:$0x3FB6];
	_ =	sdelay $0x3  }
0x36: {  	p1 =	seq.s32 s10, $0x1;
	s10 =	sld [smem:$0x3FB7];
	_ =	sdelay $0x3  }
0x37: {  	[smem:$0x3FB7] =	sst s10  }
0x38: {  	s10 =	sld [smem:$0x3FB8]  }
0x39: {  	_ = 	snop;
	(pc) =	sbr.ind lr, $3  }
0x3a: {  	_ = 	snop  }
0x3b: {  	_ = 	snop  }
0x3c: {  	p2 =	seq.s32 s10, $0x1;
	s10 =	sld [smem:$0x3FB7]  }
0x3d: {  	_ =	shalt  }
0x3e: {  	_ =	shalt  }
0x3f: {  	_ =	shalt  }
0x40: {  	_ =	shalt  }
0x41: {  	_ =	shalt  }
0x42: {  	_ =	shalt  }
0x43: {  	_ =	shalt  }
0x44: {  	_ =	shalt  }
0x45: {  	_ =	shalt  }
0x46: {  	_ =	shalt  }
0x47: {  	_ =	shalt  }
0x48: {  	_ =	shalt  }
0x49: {  	_ =	shalt  }
0x4a: {  	_ =	shalt  }
0x4b: {  	_ =	shalt  }
0x4c: {  	_ =	shalt  }
0x4d: {  	_ =	shalt  }
0x4e: {  	_ =	shalt  }
0x4f: {  	_ =	shalt  }
0x50: {  	_ =	shalt  }
0x51: {  	_ =	shalt  }
0x52: {  	_ =	shalt  }
0x53: {  	_ =	shalt  }
0x54: {  	_ =	shalt  }
0x55: {  	_ =	shalt  }
0x56: {  	_ =	shalt  }
0x57: {  	_ =	shalt  }
0x58: {  	_ =	shalt  }
0x59: {  	_ =	shalt  }
0x5a: {  	_ =	shalt  }
0x5b: {  	_ =	shalt  }
0x5c: {  	_ =	shalt  }
0x5d: {  	_ =	shalt  }
0x5e: {  	_ =	shalt  }
0x5f: {  	_ =	shalt  }
0x60: {  	_ =	shalt  }
0x61: {  	_ =	shalt  }
0x62: {  	_ =	shalt  }
0x63: {  	_ =	shalt  }
0x64: {  	_ =	shalt  }
0x65: {  	_ =	shalt  }
0x66: {  	_ =	shalt  }
0x67: {  	_ =	shalt  }
0x68: {  	_ =	shalt  }
0x69: {  	_ =	shalt  }
0x6a: {  	_ =	shalt  }
0x6b: {  	_ =	shalt  }
0x6c: {  	_ =	shalt  }
0x6d: {  	_ =	shalt  }
0x6e: {  	_ =	shalt  }
0x6f: {  	_ =	shalt  }
0x70: {  	_ =	shalt  }
0x71: {  	_ =	shalt  }
0x72: {  	_ =	shalt  }
0x73: {  	_ =	shalt  }
0x74: {  	_ =	shalt  }
0x75: {  	_ =	shalt  }
0x76: {  	_ =	shalt  }
0x77: {  	_ =	shalt  }
0x78: {  	_ =	shalt  }
0x79: {  	_ =	shalt  }
0x7a: {  	_ =	shalt  }
0x7b: {  	_ =	shalt  }
0x7c: {  	_ =	shalt  }
0x7d: {  	_ =	shalt  }
0x7e: {  	_ =	shalt  }
0x7f: {  	_ =	shalt  }
0x80: {  	_ =	shalt  }
0x81: {  	_ =	shalt  }
0x82: {  	_ =	shalt  }
0x83: {  	_ =	shalt  }
0x84: {  	_ =	shalt  }
0x85: {  	_ =	shalt  }
0x86: {  	_ =	shalt  }
0x87: {  	_ =	shalt  }
.Lfunc_end0:
.L_simem_size_0:
called_computation_lowered:
.L_overlay_start_0:
0x88: {  	s2 =	sld [smem:$0x3FD9]  }
0x89: {  	s3 =	sld [smem:$0x3FFE];
	_ =	sdelay $0x1  }
0x8a: {  	s1 =	srdreg.scid  }
0x8b: {  	s0 =	sand.u32 $0x1, s1  }
0x8c: {  	s17 =	sshll.u32 s0, $0xA;
	s2 =	sadd.s32 s3, s2  }
0x8d: {  	s2 =	sadd.s32 s2, s17  }
0x8e: {  	[smem:$0x3FC3] =	sst s2  }
0x8f: {  	_ = 	snop  }
0x90: {  	s2 =	sld [smem:$0x3FC8]  }
0x91: {  	s18 =	sld [smem:$0x3FC7]  }
0x92: {  	s4 =	sld [smem:$0x3FC6]  }
0x93: {  	s5 =	sld [smem:$0x3FC5]  }
0x94: {  	s6 =	sld [smem:$0x3FD0];
	(tm) =	ssettm $0x1  }
0x95: {  	s7 =	sld [smem:$0x3FFB];
	_ =	sdelay $0x3  }
0x96: {  	_ =	strace s7  }
0x97: {  	s7 =	sld [smem:$0x3FFC];
	_ =	sdelay $0x3  }
0x98: {  	_ =	strace s7  }
0x99: {  	s7 =	sld [smem:$0x3FFD];
	_ =	sdelay $0x3  }
0x9a: {  	_ =	strace s7  }
0x9b: {  	_ =	strace $0x8FFFFFFF  }
0x9c: {  	s19 =	sld [smem:$0x3FDB];
	_ =	sdelay $0x1  }
0x9d: {  	s8 =	simm.s32 $_scs_section_size  }
0x9e: {  	s9 =	simm.s32 $_size__tile_overlayer_lowered;
	s10 =	simm.s32 $_tile_overlayer_lowered  }
0x9f: {  	s22 =	simm.s32 $0x1BFF;
	s21 =	sshll.u32 s10, $0x1;
	s7 =	sadd.s32 s8, s19  }
0xa0: {  	s11 =	simm.s32 $0x0;
	s20 =	sshll.u32 s9, $0x1;
	s9 =	sadd.s32 s21, s7  }
0xa1: {  	[timem:s11], [sflag:s22] =	dma.local [hbm:s9], s20  }
0xa2: {  	_ =	swait.ge [sflag:s22], s20  }
0xa3: {  	s8 =	ssub.s32 $0x0, s20;
	[sflag:s22] =	ssyncset.done $0x0  }
0xa4: {  	[sflag:s22] =	ssyncadd.s32 s8;
	_ =	sdelay $0x1  }
0xa5: {  	s23 =	simm.s32 $0x1B8B  }
0xa6: {  	_ =	swait.ge [sflag:s23], $0x1  }
0xa7: {  	[sflag:s23] =	ssyncset.done $0x0  }
0xa8: {  	s25 =	simm.s32 $0x1B8E;
	s24 =	sld [smem:$0x3FFE];
	[sflag:s23] =	ssyncadd.s32 $0xFFFFFFFF  }
0xa9: {  	s26 =	simm.s32 $execute0_lowered;
	[smem:$0x3FD2] =	sst s25  }
0xaa: {  	s9 =	sshll.u32 s26, $0x1;
	_ =	strace $0x80000046;
	[dreg:$0x1] =	wrdreg $0xFFFFFFFF  }
0xab: {  	s28 =	simm.s32 $_size_execute0_lowered;
	s7 =	sadd.s32 s7, s9;
	[dreg:$0x0] =	wrdreg $0x0  }
0xac: {  	s9 =	sshll.u32 s28, $0x1;
	[dreg:$0x2] =	wrdreg s7  }
0xad: {  	[dreg:$0x3] =	wrdreg s9  }
0xae: {  	[dreg:$0x4] =	wrdreg $0xC0  }
0xaf: {  	_ =	task [dreg:s11], $0x5FFFF  }
0xb0: {  	[dreg:$0x1] =	wrdreg $0xFFFFFFFF  }
0xb1: {  	[dreg:$0x0] =	wrdreg $0x60  }
0xb2: {  	[dreg:$0x2] =	wrdreg s24  }
0xb3: {  	[dreg:$0x3] =	wrdreg s2  }
0xb4: {  	[dreg:$0x4] =	wrdreg s18  }
0xb5: {  	[dreg:$0x5] =	wrdreg s4  }
0xb6: {  	[dreg:$0x6] =	wrdreg s5  }
0xb7: {  	[dreg:$0x7] =	wrdreg s6  }
0xb8: {  	[dreg:$0x8] =	wrdreg $0x9  }
0xb9: {  	_ =	task.clear_ibuf [dreg:s11], $0x9FFFF;
	_ =	strace $0x90000046  }
0xba: {  	s29 =	simm.s32 $0x9;
	_ =	strace $0x80000048  }
0xbb: {  	_ =	swait.ge [sflag:s29], $0x1  }
0xbc: {  	[sflag:s29] =	ssyncadd.s32 $0xFFFFFFFF  }
0xbd: {  	_ =	strace $0x90000048  }
0xbe: {  	_ =	sfence  }
0xbf: {  	s30 =	sld [smem:$0x0];
	_ =	sdelay $0x2  }
0xc0: {  	s31 =	sshll.u32 s1, $0xD;
	s1 =	sshrl.u32 s1, $0x2  }
0xc1: {  	s3 =	sand.u32 $0x4000, s31;
	s1 =	sadd.s32 s1, s30  }
0xc2: {  	s0 =	sor.u32 s3, s0;
	s1 =	sshll.u32 s1, $0x11  }
0xc3: {  	s0 =	sor.u32 s1, s0  }
0xc4: {  	s0 =	sadd.s32 $0x8F2B, s0  }
0xc5: {  	[sflag:s0] =	ssyncadd.remote.s32 $0x1  }
0xc6: {  	_ =	sfence.sel $0xFFFF  }
0xc7: {  	[dreg:$0x0] =	wrdreg $0xFFFFFFFF;
	(pc) =	sbr.abs _section_cstart, $3  }
0xc8: {  	[dreg:$0x1] =	wrdreg $0xFFFFFFFF  }
0xc9: {  	_ =	task.clear_ibuf [dreg:s11], $0x2FFFF;
	_ =	strace $0x9FFFFFFF  }
0xca: {  	(tm) =	ssettm $0x7FFFFFFF  }
0xcb: {  	_ =	shalt  }
tec
execute0_lowered:
.L_overlay_start_1:
0x0: {  	(tag) =	ssettag $0x1  }
0x1: {  	s0 =	rddreg [dreg:$0x0]  }
0x2: {  	s1 =	rddreg [dreg:$0x1];
	v0 =	vimm.s32 $0xBA98FEDC  }
0x3: {  	s2 =	srdreg.scid;
	s3 =	rddreg [dreg:$0x2];
	s17 =	simm.s32 $0x5000;
	v1 =	vimm.s32 $0x76543210;
	v2 =	vimm.s32 $0xFEDCBA98  }
0x4: {  	s4 =	stileid.u32;
	s6 =	rddreg [dreg:$0x5];
	s7 =	simm.s32 $0x0;
	v3 =	vimm.s32 $0x32107654;
	v4 =	vimm.s32 $0xDCFE98BA;
	v5 =	vimm.s32 $0x54761032  }
0x5: {  	v6 =	vimm.s32 $0xEFCDAB89;
	s18 =	simm.s32 $0x11800;
	s19 =	simm.s32 $0x12000;
	s20 =	simm.s32 $0x12800  }
0x6: {  	v7 =	vimm.s32 $0x67452301;
	s21 =	simm.s32 $0x13000;
	s23 =	simm.s32 $0x13800;
	s24 =	simm.s32 $0x14000  }
0x7: {  	vm0 =	vmmov $0xffff;
	s28 =	simm.s32 $0x1;
	s29 =	simm.s32 $0x4000;
	s30 =	simm.s32 $0x80000;
	v0 =	vunpack.c.l.s4.s8 v0;
	v3 =	vunpack.c.l.s4.s8 v3  }
0x8: {  	s2 =	sand.u32 $0x1, s2;
	s4 =	sshll.u32 s4, $0x1;
	[smem:$0x7FF] =	sst s7;
	v1 =	vunpack.c.l.s4.s8 v1;
	v4 =	vunpack.c.l.s4.s8 v4;
	v5 =	vunpack.c.l.s4.s8 v5  }
0x9: {  	s8 =	sadd.s32 $0x100, s1;
	s9 =	sadd.s32 $0x200, s1;
	v2 =	vunpack.c.l.s4.s8 v2;
	s4 =	sor.u32 s2, s4;
	v0 =	vunpack.c.0.s8.s32 v0;
	v3 =	vunpack.c.0.s8.s32 v3  }
0xa: {  	v6 =	vunpack.c.l.s4.s8 v6;
	v7 =	vunpack.c.l.s4.s8 v7;
	s2 =	ssub.s32 $0x2, s2;
	s5 =	sshll.u32 s4, $0xB;
	s4 =	sshll.u32 s4, $0x7;
	v4 =	vunpack.c.0.s8.s32 v4  }
0xb: {  	s10 =	sadd.s32 $0x300, s1;
	s25 =	sshrl.u32 s2, $0x1;
	v5 =	vunpack.c.0.s8.s32 v5;
	v2 =	vunpack.c.0.s8.s32 v2;
	s4 =	sor.u32 s4, s5;
	v8 =	vcombine.low v3, v0  }
0xc: {  	_ =	strace $0x80000047;
	s2 =	ssub.s32 s2, s25;
	s4 =	sand.u32 $0xC380, s4;
	v0 =	vunpack.c.0.s8.s32 v6;
	v3 =	vunpack.c.0.s8.s32 v7;
	v6 =	vlaneseq.u32  }
0xd: {  	s26 =	sadd.s32 s3, s5;
	s11 =	sadd.s32 s6, s5;
	v5 =	vcombine.low v5, v4;
	v7 =	vunpack.c.0.s8.s32 v1;
	s4 =	sshrl.u32 s4, $0x3;
	v4 =	vshrl.u32 v6, $0x3  }
0xe: {  	[dreg:$0x8] =	wrdreg s26;
	s31 =	smax.u32 s2, $0x1;
	s0 =	sadd.s32 s4, s0;
	v9 =	vcombine.low v3, v0;
	v0 =	vand.u32 $0x7, v6;
	v1 =	vmul.u32 $0x8, v4  }
0xf: {  	s25 =	simm.s32 $0x2;
	[dreg:$0x9] =	wrdreg s31;
	v3 =	vand.u32 $0xF, v2;
	v2 =	vor.u32 $0x8, v6;
	v4 =	vand.u32 $0xF, v8;
	s0 =	sadd.s32 $0x400, s0  }
0x10: {  	s26 =	simm.s32 $0x14800;
	s2 =	simm.s32 $0x0;
	v5 =	vand.u32 $0xF, v5;
	v3 =	vcombine.low v3, v7;
	[dreg:$0x7] =	wrdreg s0;
	v6 =	vand.u32 $0xF, v9  }
.LBB2_1:
0x11: {  	[dreg:$0xa] =	wrdreg s2;
	s7 =	simm.s32 $0x0  }
0x12: {  	s0 =	rddreg [dreg:$0x7];
	s3 =	simm.s32 $0x400;
	s4 =	simm.s32 $0x80  }
0x13: {  	[tilespmem:s7], [sflag:$0x2] =	stream.strided.gather [hbm4b:s0+s4], $0x800, s3, s4, $0x38;
	[tilespmem:$0x15000] =	vst v63  }
0x14: {  	_ =	swait.ge [sflag:s25], $0x800  }
0x15: {  	[sflag:s25] =	ssyncset.done $0x0  }
0x16: {  	s13 =	simm.s32 $0x800;
	s12 =	rddreg [dreg:$0x8];
	[sflag:s25] =	ssyncadd.s32 $0xFFFFF800  }
0x17: {  	[tilespmem:s13], [sflag:$0x2] =	stream.linear.gather [hbm4b:s12+s7], $0x4000, $0x38;
	[tilespmem:$0x15000] =	vst v63  }
0x18: {  	_ =	swait.ge [sflag:s25], $0x4000  }
0x19: {  	[sflag:s25] =	ssyncset.done $0x0  }
0x1a: {  	[sflag:s25] =	ssyncadd.s32 $0xFFFFC000  }
0x1b: {  	s15 =	simm.s32 $0x4800;
	s14 =	rddreg [dreg:$0x3]  }
0x1c: {  	[tilespmem:s15], [sflag:$0x2] =	stream.linear.gather [hbm4b:s14+s7], $0x400, $0x38;
	[tilespmem:$0x15000] =	vst v63  }
0x1d: {  	_ =	swait.ge [sflag:s25], $0x400  }
0x1e: {  	[sflag:s25] =	ssyncset.done $0x0  }
0x1f: {  	[sflag:s25] =	ssyncadd.s32 $0xFFFFFC00  }
0x20: {  	s22 =	simm.s32 $0x4C00;
	s16 =	rddreg [dreg:$0x4]  }
0x21: {  	[tilespmem:s22], [sflag:$0x2] =	stream.linear.gather [hbm4b:s16+s7], $0x400, $0x38;
	[tilespmem:$0x15000] =	vst v63  }
0x22: {  	_ =	swait.ge [sflag:s25], $0x400  }
0x23: {  	[sflag:s25] =	ssyncset.done $0x0  }
0x24: {  	s31 =	simm.s32 $0x0;
	[sflag:s25] =	ssyncadd.s32 $0xFFFFFC00  }
.LBB2_2:
0x25: {  	s0 =	sshll.u32 s31, $0x6  }
0x26: {  	s0 =	sand.u32 $0x3FFFFFC0, s0  }
0x27: {  	v7 =	vld [tilespmem:s0+$0x0];
	_ =	sdelay $0x4  }
0x28: {  	v8 =	vshll.u32 v7, $0x3  }
0x29: {  	v7 =	vand.u32 $0x7, v7;
	v8 =	vand.u32 $0xFFFFFFC0, v8  }
0x2a: {  	v7 =	vor.u32 v7, v8  }
0x2b: {  	v8 =	vperm.xlane v7, v0;
	_ =	sdelay $0x1  }
0x2c: {  	v8 =	vadd.s32 v1, v8;
	_ =	sdelay $0x3  }
0x2d: {  	s3 =	simm.s32 $0x0  }
0x2e: {  	[tilespmem:s17], [sflag:$0x1] =	stream.indirect_vreg.gather [hbm4b:s1+s3], $0x80, v8, vm0, $0xb8;
	[tilespmem:$0x15000] =	vst v63  }
0x2f: {  	s2 =	simm.s32 $0x5800;
	v7 =	vperm.xlane v7, v2  }
0x30: {  	[tilespmem:s2], [sflag:$0x1] =	stream.indirect_vreg.gather [hbm4b:s8+s3], $0x80, v8, vm0, $0xb8;
	[tilespmem:$0x15000] =	vst v63  }
0x31: {  	s15 =	simm.s32 $0x6000;
	v7 =	vadd.s32 v1, v7  }
0x32: {  	[tilespmem:s15], [sflag:$0x1] =	stream.indirect_vreg.gather [hbm4b:s9+s3], $0x80, v8, vm0, $0xb8;
	[tilespmem:$0x15000] =	vst v63  }
0x33: {  	s16 =	simm.s32 $0x6800  }
0x34: {  	[tilespmem:s16], [sflag:$0x1] =	stream.indirect_vreg.gather [hbm4b:s10+s3], $0x80, v8, vm0, $0xb8;
	[tilespmem:$0x15000] =	vst v63  }
0x35: {  	s22 =	simm.s32 $0x7000  }
0x36: {  	[tilespmem:s22], [sflag:$0x1] =	stream.indirect_vreg.gather [hbm4b:s1+s3], $0x80, v7, vm0, $0xb8;
	[tilespmem:$0x15000] =	vst v63  }
0x37: {  	s4 =	simm.s32 $0x7800  }
0x38: {  	[tilespmem:s4], [sflag:$0x1] =	stream.indirect_vreg.gather [hbm4b:s8+s3], $0x80, v7, vm0, $0xb8;
	[tilespmem:$0x15000] =	vst v63  }
0x39: {  	s5 =	simm.s32 $0x8000  }
0x3a: {  	[tilespmem:s5], [sflag:$0x1] =	stream.indirect_vreg.gather [hbm4b:s9+s3], $0x80, v7, vm0, $0xb8;
	[tilespmem:$0x15000] =	vst v63  }
0x3b: {  	s6 =	simm.s32 $0x8800  }
0x3c: {  	[tilespmem:s6], [sflag:$0x1] =	stream.indirect_vreg.gather [hbm4b:s10+s3], $0x80, v7, vm0, $0xb8;
	[tilespmem:$0x15000] =	vst v63  }
0x3d: {  	v7 =	vld [tilespmem:s0+$0x10];
	_ =	sdelay $0x4  }
0x3e: {  	v8 =	vshll.u32 v7, $0x3  }
0x3f: {  	v7 =	vand.u32 $0x7, v7;
	v8 =	vand.u32 $0xFFFFFFC0, v8  }
0x40: {  	v7 =	vor.u32 v7, v8  }
0x41: {  	v8 =	vperm.xlane v7, v0;
	_ =	sdelay $0x1  }
0x42: {  	v8 =	vadd.s32 v1, v8;
	_ =	sdelay $0x3  }
0x43: {  	s7 =	simm.s32 $0x9000  }
0x44: {  	[tilespmem:s7], [sflag:$0x1] =	stream.indirect_vreg.gather [hbm4b:s1+s3], $0x80, v8, vm0, $0xb8;
	[tilespmem:$0x15000] =	vst v63  }
0x45: {  	s12 =	simm.s32 $0x9800;
	v7 =	vperm.xlane v7, v2  }
0x46: {  	[tilespmem:s12], [sflag:$0x1] =	stream.indirect_vreg.gather [hbm4b:s8+s3], $0x80, v8, vm0, $0xb8;
	[tilespmem:$0x15000] =	vst v63  }
0x47: {  	s13 =	simm.s32 $0xA000;
	v7 =	vadd.s32 v1, v7  }
0x48: {  	[tilespmem:s13], [sflag:$0x1] =	stream.indirect_vreg.gather [hbm4b:s9+s3], $0x80, v8, vm0, $0xb8;
	[tilespmem:$0x15000] =	vst v63  }
0x49: {  	s14 =	simm.s32 $0xA800  }
0x4a: {  	[tilespmem:s14], [sflag:$0x1] =	stream.indirect_vreg.gather [hbm4b:s10+s3], $0x80, v8, vm0, $0xb8;
	[tilespmem:$0x15000] =	vst v63  }
0x4b: {  	s15 =	simm.s32 $0xB000  }
0x4c: {  	[tilespmem:s15], [sflag:$0x1] =	stream.indirect_vreg.gather [hbm4b:s1+s3], $0x80, v7, vm0, $0xb8;
	[tilespmem:$0x15000] =	vst v63  }
0x4d: {  	s16 =	simm.s32 $0xB800  }
0x4e: {  	[tilespmem:s16], [sflag:$0x1] =	stream.indirect_vreg.gather [hbm4b:s8+s3], $0x80, v7, vm0, $0xb8;
	[tilespmem:$0x15000] =	vst v63  }
0x4f: {  	s22 =	simm.s32 $0xC000  }
0x50: {  	[tilespmem:s22], [sflag:$0x1] =	stream.indirect_vreg.gather [hbm4b:s9+s3], $0x80, v7, vm0, $0xb8;
	[tilespmem:$0x15000] =	vst v63  }
0x51: {  	s4 =	simm.s32 $0xC800  }
0x52: {  	[tilespmem:s4], [sflag:$0x1] =	stream.indirect_vreg.gather [hbm4b:s10+s3], $0x80, v7, vm0, $0xb8;
	[tilespmem:$0x15000] =	vst v63  }
0x53: {  	v7 =	vld [tilespmem:s0+$0x20];
	_ =	sdelay $0x4  }
0x54: {  	v8 =	vshll.u32 v7, $0x3  }
0x55: {  	v7 =	vand.u32 $0x7, v7;
	v8 =	vand.u32 $0xFFFFFFC0, v8  }
0x56: {  	v7 =	vor.u32 v7, v8  }
0x57: {  	v8 =	vperm.xlane v7, v0;
	_ =	sdelay $0x1  }
0x58: {  	v8 =	vadd.s32 v1, v8;
	_ =	sdelay $0x3  }
0x59: {  	s5 =	simm.s32 $0xD000  }
0x5a: {  	[tilespmem:s5], [sflag:$0x1] =	stream.indirect_vreg.gather [hbm4b:s1+s3], $0x80, v8, vm0, $0xb8;
	[tilespmem:$0x15000] =	vst v63  }
0x5b: {  	s6 =	simm.s32 $0xD800;
	v7 =	vperm.xlane v7, v2  }
0x5c: {  	[tilespmem:s6], [sflag:$0x1] =	stream.indirect_vreg.gather [hbm4b:s8+s3], $0x80, v8, vm0, $0xb8;
	[tilespmem:$0x15000] =	vst v63  }
0x5d: {  	s7 =	simm.s32 $0xE000;
	v7 =	vadd.s32 v1, v7  }
0x5e: {  	[tilespmem:s7], [sflag:$0x1] =	stream.indirect_vreg.gather [hbm4b:s9+s3], $0x80, v8, vm0, $0xb8;
	[tilespmem:$0x15000] =	vst v63  }
0x5f: {  	s12 =	simm.s32 $0xE800  }
0x60: {  	[tilespmem:s12], [sflag:$0x1] =	stream.indirect_vreg.gather [hbm4b:s10+s3], $0x80, v8, vm0, $0xb8;
	[tilespmem:$0x15000] =	vst v63  }
0x61: {  	s13 =	simm.s32 $0xF000  }
0x62: {  	[tilespmem:s13], [sflag:$0x1] =	stream.indirect_vreg.gather [hbm4b:s1+s3], $0x80, v7, vm0, $0xb8;
	[tilespmem:$0x15000] =	vst v63  }
0x63: {  	s14 =	simm.s32 $0xF800  }
0x64: {  	[tilespmem:s14], [sflag:$0x1] =	stream.indirect_vreg.gather [hbm4b:s8+s3], $0x80, v7, vm0, $0xb8;
	[tilespmem:$0x15000] =	vst v63  }
0x65: {  	s15 =	simm.s32 $0x10000  }
0x66: {  	[tilespmem:s15], [sflag:$0x1] =	stream.indirect_vreg.gather [hbm4b:s9+s3], $0x80, v7, vm0, $0xb8;
	[tilespmem:$0x15000] =	vst v63  }
0x67: {  	s16 =	simm.s32 $0x10800  }
0x68: {  	[tilespmem:s16], [sflag:$0x1] =	stream.indirect_vreg.gather [hbm4b:s10+s3], $0x80, v7, vm0, $0xb8;
	[tilespmem:$0x15000] =	vst v63  }
0x69: {  	v7 =	vld [tilespmem:s0+$0x30];
	_ =	sdelay $0x4  }
0x6a: {  	v8 =	vshll.u32 v7, $0x3  }
0x6b: {  	v7 =	vand.u32 $0x7, v7;
	v8 =	vand.u32 $0xFFFFFFC0, v8  }
0x6c: {  	v7 =	vor.u32 v7, v8  }
0x6d: {  	v8 =	vperm.xlane v7, v0;
	_ =	sdelay $0x1  }
0x6e: {  	v8 =	vadd.s32 v1, v8;
	_ =	sdelay $0x3  }
0x6f: {  	s22 =	simm.s32 $0x11000  }
0x70: {  	[tilespmem:s22], [sflag:$0x1] =	stream.indirect_vreg.gather [hbm4b:s1+s3], $0x80, v8, vm0, $0xb8;
	[tilespmem:$0x15000] =	vst v63  }
0x71: {  	v7 =	vperm.xlane v7, v2  }
0x72: {  	[tilespmem:s18], [sflag:$0x1] =	stream.indirect_vreg.gather [hbm4b:s8+s3], $0x80, v8, vm0, $0xb8;
	[tilespmem:$0x15000] =	vst v63  }
0x73: {  	v7 =	vadd.s32 v1, v7  }
0x74: {  	[tilespmem:s19], [sflag:$0x1] =	stream.indirect_vreg.gather [hbm4b:s9+s3], $0x80, v8, vm0, $0xb8;
	[tilespmem:$0x15000] =	vst v63  }
0x75: {  	_ = 	snop  }
0x76: {  	[tilespmem:s20], [sflag:$0x1] =	stream.indirect_vreg.gather [hbm4b:s10+s3], $0x80, v8, vm0, $0xb8;
	[tilespmem:$0x15000] =	vst v63  }
0x77: {  	_ = 	snop  }
0x78: {  	[tilespmem:s21], [sflag:$0x1] =	stream.indirect_vreg.gather [hbm4b:s1+s3], $0x80, v7, vm0, $0xb8;
	[tilespmem:$0x15000] =	vst v63  }
0x79: {  	_ = 	snop  }
0x7a: {  	[tilespmem:s23], [sflag:$0x1] =	stream.indirect_vreg.gather [hbm4b:s8+s3], $0x80, v7, vm0, $0xb8;
	[tilespmem:$0x15000] =	vst v63  }
0x7b: {  	_ = 	snop  }
0x7c: {  	[tilespmem:s24], [sflag:$0x1] =	stream.indirect_vreg.gather [hbm4b:s9+s3], $0x80, v7, vm0, $0xb8;
	[tilespmem:$0x15000] =	vst v63  }
0x7d: {  	_ = 	snop  }
0x7e: {  	[tilespmem:s26], [sflag:$0x1] =	stream.indirect_vreg.gather [hbm4b:s10+s3], $0x80, v7, vm0, $0xb8;
	[tilespmem:$0x15000] =	vst v63  }
0x7f: {  	_ =	swait.ge [sflag:s28], $0x4000  }
0x80: {  	[sflag:s28] =	ssyncset.done $0x0  }
0x81: {  	[sflag:s28] =	ssyncadd.s32 $0xFFFFC000  }
0x82: {  	_ =	swait.ge [sflag:s28], $0x4000  }
0x83: {  	[sflag:s28] =	ssyncset.done $0x0  }
0x84: {  	[sflag:s28] =	ssyncadd.s32 $0xFFFFC000  }
0x85: {  	_ =	swait.ge [sflag:s28], $0x4000  }
0x86: {  	[sflag:s28] =	ssyncset.done $0x0  }
0x87: {  	[sflag:s28] =	ssyncadd.s32 $0xFFFFC000  }
0x88: {  	_ =	swait.ge [sflag:s28], $0x4000  }
0x89: {  	[sflag:s28] =	ssyncset.done $0x0  }
0x8a: {  	s0 =	simm.s32 $0x0;
	[sflag:s28] =	ssyncadd.s32 $0xFFFFC000  }
.LBB2_3:
0x8b: {  	s2 =	sshll.u32 s0, $0xA;
	s4 =	sshll.u32 s0, $0x7  }
0x8c: {  	s4 =	sand.u32 $0x380, s4;
	s6 =	sand.u32 $0x1FFFE000, s2  }
0x8d: {  	s7 =	sand.u32 $0x2000, s2;
	s14 =	sor.u32 s4, s6  }
0x8e: {  	s15 =	sand.u32 $0x1C00, s3;
	s4 =	sor.u32 s4, s7;
	s2 =	sadd.s32 $0x5000, s14  }
0x8f: {  	s7 =	sand.u32 $0x40, s3;
	s4 =	sor.u32 $0x800, s4;
	s13 =	sadd.s32 s15, s2  }
0x90: {  	s6 =	sadd.s32 s15, s4;
	s14 =	sadd.s32 s7, s13  }
0x91: {  	s15 =	sadd.s32 s7, s6;
	v7 =	vld [tilespmem:s14+$0x0]  }
0x92: {  	v8 =	vld [tilespmem:s15+$0x0];
	_ =	sdelay $0x4  }
0x93: {  	v7 =	vadd.f32 v8, v7  }
0x94: {  	s16 =	sor.u32 $0x10, s7  }
0x95: {  	s22 =	sadd.s32 s16, s13;
	[tilespmem:s14+$0x0] =	vst v7  }
0x96: {  	s15 =	sadd.s32 s16, s6;
	v8 =	vld [tilespmem:s22+$0x0]  }
0x97: {  	v9 =	vld [tilespmem:s15+$0x0];
	_ =	sdelay $0x4  }
0x98: {  	v8 =	vadd.f32 v9, v8  }
0x99: {  	s5 =	sor.u32 $0x20, s7  }
0x9a: {  	s12 =	sadd.s32 s5, s13;
	[tilespmem:s22+$0x0] =	vst v8  }
0x9b: {  	s15 =	sadd.s32 s5, s6;
	v9 =	vld [tilespmem:s12+$0x0]  }
0x9c: {  	v10 =	vld [tilespmem:s15+$0x0];
	_ =	sdelay $0x3  }
0x9d: {  	v11 =	vmul.f32 v7, v7  }
0x9e: {  	v12 =	vimm.f32 $0.0e+00;
	v13 =	vadd.f32 v10, v9  }
0x9f: {  	s16 =	sor.u32 $0x30, s7;
	v9 =	vmul.f32 v8, v8;
	v10 =	vadd.f32 v11, v12  }
0xa0: {  	s7 =	sadd.s32 s16, s13;
	[tilespmem:s12+$0x0] =	vst v13  }
0xa1: {  	v7 =	vadd.f32 v7, v12;
	s22 =	sadd.s32 s16, s6;
	v12 =	vadd.f32 v9, v10;
	v9 =	vld [tilespmem:s7+$0x0]  }
0xa2: {  	v10 =	vld [tilespmem:s22+$0x0];
	_ =	sdelay $0x1  }
0xa3: {  	v7 =	vadd.f32 v8, v7;
	v11 =	vmul.f32 v13, v13;
	_ =	sdelay $0x1  }
0xa4: {  	s13 =	simm.s32 $0x0;
	s14 =	simm.s32 $0x200;
	s6 =	simm.s32 $0x4;
	v8 =	vadd.f32 v13, v7;
	v7 =	vadd.f32 v11, v12  }
.LBB2_4:
0xa5: {  	s6 =	sadd.s32 $0x4, s6;
	s15 =	sand.u32 $0x1C00, s14;
	v9 =	vadd.f32 v10, v9;
	s13 =	sadd.s32 $0x40, s13  }
0xa6: {  	s16 =	sand.u32 $0x40, s13;
	s22 =	sadd.s32 s15, s2;
	s15 =	sadd.s32 s15, s4  }
0xa7: {  	p0 =	slt.u32 s6, $0x3C;
	s12 =	sadd.s32 s16, s22;
	s5 =	sadd.s32 s16, s15;
	[tilespmem:s7+$0x0] =	vst v9;
	v8 =	vadd.f32 v9, v8;
	v9 =	vmul.f32 v9, v9  }
0xa8: {  	v10 =	vld [tilespmem:s12+$0x0]  }
0xa9: {  	v11 =	vld [tilespmem:s5+$0x0];
	v7 =	vadd.f32 v9, v7;
	_ =	sdelay $0x4  }
0xaa: {  	v9 =	vadd.f32 v11, v10  }
0xab: {  	s5 =	sor.u32 $0x10, s16  }
0xac: {  	s7 =	sadd.s32 s5, s22;
	s5 =	sadd.s32 s5, s15;
	[tilespmem:s12+$0x0] =	vst v9;
	v10 =	vmul.f32 v9, v9  }
0xad: {  	v11 =	vld [tilespmem:s7+$0x0]  }
0xae: {  	v12 =	vld [tilespmem:s5+$0x0];
	_ =	sdelay $0x4  }
0xaf: {  	v11 =	vadd.f32 v12, v11  }
0xb0: {  	s5 =	sor.u32 $0x20, s16  }
0xb1: {  	[tilespmem:s7+$0x0] =	vst v11;
	v12 =	vmul.f32 v11, v11;
	s7 =	sadd.s32 s5, s22;
	s5 =	sadd.s32 s5, s15  }
0xb2: {  	v13 =	vld [tilespmem:s7+$0x0]  }
0xb3: {  	v14 =	vld [tilespmem:s5+$0x0];
	_ =	sdelay $0x4  }
0xb4: {  	v13 =	vadd.f32 v14, v13  }
0xb5: {  	s5 =	sor.u32 $0x30, s16  }
0xb6: {  	[tilespmem:s7+$0x0] =	vst v13;
	v14 =	vmul.f32 v13, v13;
	s7 =	sadd.s32 s5, s22;
	s5 =	sadd.s32 s5, s15  }
0xb7: {  	v8 =	vadd.f32 v9, v8;
	v7 =	vadd.f32 v10, v7;
	v9 =	vld [tilespmem:s7+$0x0]  }
.Ltmp0:
0xb8: {  	v10 =	vld [tilespmem:s5+$0x0];
	(pc) =	sbr.rel @p0 .LBB2_4-.Ltmp0, $3  }
0xb9: {  	v8 =	vadd.f32 v11, v8;
	v7 =	vadd.f32 v12, v7;
	_ =	sdelay $0x1  }
0xba: {  	v8 =	vadd.f32 v13, v8;
	v7 =	vadd.f32 v14, v7  }
0xbb: {  	s14 =	sadd.s32 $0x200, s14  }
0xbc: {  	s5 =	sand.u32 $0x1C00, s14;
	v9 =	vadd.f32 v10, v9;
	s6 =	sadd.s32 $0x40, s13  }
0xbd: {  	s6 =	sand.u32 $0x40, s6;
	s12 =	sadd.s32 s5, s2  }
0xbe: {  	s4 =	sadd.s32 s5, s4;
	s14 =	sadd.s32 s6, s12;
	[tilespmem:s7+$0x0] =	vst v9  }
0xbf: {  	s15 =	sadd.s32 s6, s4;
	v10 =	vld [tilespmem:s14+$0x0]  }
0xc0: {  	v11 =	vld [tilespmem:s15+$0x0];
	_ =	sdelay $0x4  }
0xc1: {  	v10 =	vadd.f32 v11, v10  }
0xc2: {  	s16 =	sor.u32 $0x10, s6  }
0xc3: {  	s22 =	sadd.s32 s16, s12;
	[tilespmem:s14+$0x0] =	vst v10  }
0xc4: {  	s7 =	sadd.s32 s16, s4;
	v11 =	vld [tilespmem:s22+$0x0]  }
0xc5: {  	v12 =	vld [tilespmem:s7+$0x0];
	_ =	sdelay $0x4  }
0xc6: {  	v11 =	vadd.f32 v12, v11  }
0xc7: {  	s13 =	sor.u32 $0x20, s6  }
0xc8: {  	s14 =	sadd.s32 s13, s12;
	[tilespmem:s22+$0x0] =	vst v11  }
0xc9: {  	s7 =	sadd.s32 s13, s4;
	v61 =	vld [tilespmem:s14+$0x0]  }
0xca: {  	v13 =	vld [tilespmem:s7+$0x0];
	_ =	sdelay $0x4  }
0xcb: {  	v12 =	vadd.f32 v13, v61  }
0xcc: {  	s6 =	sor.u32 $0x30, s6  }
0xcd: {  	v62 =	vmul.f32 v9, v9;
	s15 =	sadd.s32 s6, s12;
	[tilespmem:s14+$0x0] =	vst v12  }
0xce: {  	v8 =	vadd.f32 v9, v8;
	s4 =	sadd.s32 s6, s4;
	v9 =	vld [tilespmem:s15+$0x0]  }
0xcf: {  	v7 =	vadd.f32 v62, v7;
	v63 =	vmul.f32 v10, v10;
	v14 =	vld [tilespmem:s4+$0x0]  }
0xd0: {  	v8 =	vadd.f32 v10, v8  }
0xd1: {  	v7 =	vadd.f32 v63, v7;
	v10 =	vmul.f32 v11, v11  }
0xd2: {  	v8 =	vadd.f32 v11, v8  }
0xd3: {  	v7 =	vadd.f32 v10, v7  }
0xd4: {  	v10 =	vmul.f32 v12, v12;
	v8 =	vadd.f32 v12, v8;
	v9 =	vadd.f32 v14, v9;
	_ =	sdelay $0x1  }
0xd5: {  	v7 =	vadd.f32 v10, v7;
	v8 =	vadd.f32 v9, v8;
	v10 =	vmul.f32 v9, v9;
	_ =	sdelay $0x1  }
0xd6: {  	v7 =	vadd.f32 v10, v7;
	v10 =	vperm.xlane v8, v3;
	_ =	sdelay $0x1  }
0xd7: {  	v8 =	vadd.f32 v10, v8;
	v10 =	vperm.xlane v7, v3;
	_ =	sdelay $0x1  }
0xd8: {  	v7 =	vadd.f32 v10, v7;
	v10 =	vperm.xlane v8, v4;
	_ =	sdelay $0x1  }
0xd9: {  	v8 =	vadd.f32 v10, v8;
	v10 =	vperm.xlane v7, v4;
	_ =	sdelay $0x1  }
0xda: {  	v7 =	vadd.f32 v10, v7;
	v10 =	vperm.xlane v8, v5;
	_ =	sdelay $0x1  }
0xdb: {  	v8 =	vadd.f32 v10, v8;
	v10 =	vperm.xlane v7, v5;
	_ =	sdelay $0x1  }
0xdc: {  	v7 =	vadd.f32 v10, v7;
	v10 =	vperm.xlane v8, v6;
	_ =	sdelay $0x1  }
0xdd: {  	v8 =	vadd.f32 v10, v8;
	v10 =	vperm.xlane v7, v6;
	_ =	sdelay $0x1  }
0xde: {  	v10 =	vadd.f32 v10, v7;
	v7 =	vmul.f32 $9.765625000e-04, v8;
	_ =	sdelay $0x1  }
0xdf: {  	v8 =	vmul.f32 $9.765625000e-04, v10;
	v10 =	vmul.f32 v7, v7;
	_ =	sdelay $0x1  }
0xe0: {  	v8 =	vsub.f32 v8, v10;
	_ =	sdelay $0x1  }
0xe1: {  	v8 =	vadd.f32 $1.000000010e-07, v8;
	_ =	sdelay $0x1  }
0xe2: {  	v10 =	vshra.s32 v8, $0x1;
	v8 =	vmul.f32 $5.000000000e-01, v8  }
0xe3: {  	v10 =	vsub.s32 $0x5F3759DF, v10  }
0xe4: {  	v11 =	vmul.f32 v10, v8;
	_ =	sdelay $0x1  }
0xe5: {  	v11 =	vmul.f32 v10, v11;
	_ =	sdelay $0x1  }
0xe6: {  	v11 =	vsub.f32 $1.500000000e+00, v11;
	_ =	sdelay $0x1  }
0xe7: {  	v10 =	vmul.f32 v10, v11;
	_ =	sdelay $0x1  }
0xe8: {  	v11 =	vmul.f32 v10, v8;
	_ =	sdelay $0x1  }
0xe9: {  	v11 =	vmul.f32 v11, v10;
	_ =	sdelay $0x1  }
0xea: {  	s6 =	simm.s32 $0x0;
	v11 =	vsub.f32 $1.500000000e+00, v11  }
0xeb: {  	s16 =	sand.u32 $0x7000, s6  }
0xec: {  	s4 =	sshrl.u32 s16, $0x2;
	v10 =	vmul.f32 v11, v10  }
0xed: {  	s7 =	sand.u32 $0x40, s6;
	s12 =	sadd.s32 s4, s2  }
0xee: {  	s22 =	sadd.s32 s7, s12;
	[tilespmem:s15+$0x0] =	vst v9;
	v8 =	vmul.f32 v10, v8  }
0xef: {  	v9 =	vld [tilespmem:s22+$0x0]  }
0xf0: {  	v8 =	vmul.f32 v8, v10;
	_ =	sdelay $0x1  }
0xf1: {  	s4 =	simm.s32 $0x4800;
	v8 =	vsub.f32 $1.500000000e+00, v8  }
0xf2: {  	v11 =	vld [tilespmem:s4+$0x0]  }
0xf3: {  	s14 =	simm.s32 $0x4C00;
	v9 =	vsub.f32 v9, v7;
	v8 =	vmul.f32 v8, v10  }
0xf4: {  	v10 =	vld [tilespmem:s14+$0x0]  }
0xf5: {  	v9 =	vmul.f32 v9, v8;
	_ =	sdelay $0x1  }
0xf6: {  	v9 =	vmul.f32 v9, v11;
	_ =	sdelay $0x1  }
0xf7: {  	v9 =	vadd.f32 v9, v10  }
0xf8: {  	s15 =	sor.u32 $0x10, s7  }
0xf9: {  	s16 =	sadd.s32 s15, s12;
	[tilespmem:s22+$0x0] =	vst v9  }
0xfa: {  	v9 =	vld [tilespmem:s16+$0x0];
	_ =	sdelay $0x1  }
0xfb: {  	s6 =	sand.u32 $0x380, s6  }
0xfc: {  	s13 =	sor.u32 s6, s15  }
0xfd: {  	v10 =	vld [tilespmem:s13+$0x4800]  }
0xfe: {  	v9 =	vsub.f32 v9, v7  }
0xff: {  	v11 =	vld [tilespmem:s13+$0x4C00]  }
0x100: {  	v9 =	vmul.f32 v9, v8;
	_ =	sdelay $0x1  }
0x101: {  	v9 =	vmul.f32 v9, v10;
	_ =	sdelay $0x1  }
0x102: {  	v9 =	vadd.f32 v9, v11  }
0x103: {  	s22 =	sor.u32 $0x20, s7  }
0x104: {  	s14 =	sadd.s32 s22, s12;
	[tilespmem:s16+$0x0] =	vst v9  }
0x105: {  	v9 =	vld [tilespmem:s14+$0x0];
	_ =	sdelay $0x2  }
0x106: {  	s13 =	sor.u32 s6, s22  }
0x107: {  	v10 =	vld [tilespmem:s13+$0x4800]  }
0x108: {  	v9 =	vsub.f32 v9, v7  }
0x109: {  	v11 =	vld [tilespmem:s13+$0x4C00]  }
0x10a: {  	v9 =	vmul.f32 v9, v8;
	_ =	sdelay $0x1  }
0x10b: {  	v9 =	vmul.f32 v9, v10;
	_ =	sdelay $0x1  }
0x10c: {  	v9 =	vadd.f32 v9, v11  }
0x10d: {  	s15 =	sor.u32 $0x30, s7  }
0x10e: {  	s7 =	sadd.s32 s15, s12;
	[tilespmem:s14+$0x0] =	vst v9  }
0x10f: {  	v9 =	vld [tilespmem:s7+$0x0];
	_ =	sdelay $0x2  }
0x110: {  	s16 =	sor.u32 s6, s15  }
0x111: {  	v10 =	vld [tilespmem:s16+$0x4800]  }
0x112: {  	v9 =	vsub.f32 v9, v7  }
0x113: {  	v11 =	vld [tilespmem:s16+$0x4C00]  }
0x114: {  	v9 =	vmul.f32 v9, v8;
	_ =	sdelay $0x1  }
0x115: {  	s15 =	simm.s32 $0x800;
	v9 =	vmul.f32 v9, v10  }
0x116: {  	s22 =	sand.u32 $0x7000, s15  }
0x117: {  	s6 =	simm.s32 $0x4;
	s13 =	simm.s32 $0x40;
	s5 =	sshrl.u32 s22, $0x2;
	v9 =	vadd.f32 v9, v11  }
0x118: {  	s22 =	simm.s32 $0x4C40;
	s14 =	sadd.s32 s5, s2;
	s16 =	sand.u32 $0x40, s13  }
.LBB2_6:
0x119: {  	s6 =	sadd.s32 $0x4, s6;
	s5 =	sadd.s32 s16, s14;
	[tilespmem:s7+$0x0] =	vst v9;
	s4 =	sadd.s32 $0x40, s4  }
0x11a: {  	p0 =	slt.u32 s6, $0x3C;
	v9 =	vld [tilespmem:s5+$0x0];
	_ =	sdelay $0x3  }
0x11b: {  	v10 =	vld [tilespmem:s4+$0x0]  }
0x11c: {  	v9 =	vsub.f32 v9, v7  }
0x11d: {  	v11 =	vld [tilespmem:s22+$0x0]  }
0x11e: {  	v9 =	vmul.f32 v9, v8;
	_ =	sdelay $0x1  }
0x11f: {  	v9 =	vmul.f32 v9, v10;
	_ =	sdelay $0x1  }
0x120: {  	v9 =	vadd.f32 v9, v11  }
0x121: {  	s7 =	sor.u32 $0x10, s16  }
0x122: {  	[tilespmem:s5+$0x0] =	vst v9;
	s5 =	sadd.s32 s7, s14  }
0x123: {  	v9 =	vld [tilespmem:s5+$0x0];
	_ =	sdelay $0x1  }
0x124: {  	s12 =	sand.u32 $0x380, s13  }
0x125: {  	s7 =	sor.u32 s12, s7  }
0x126: {  	v10 =	vld [tilespmem:s7+$0x4800]  }
0x127: {  	v9 =	vsub.f32 v9, v7  }
0x128: {  	v11 =	vld [tilespmem:s7+$0x4C00]  }
0x129: {  	v9 =	vmul.f32 v9, v8;
	_ =	sdelay $0x1  }
0x12a: {  	v9 =	vmul.f32 v9, v10;
	_ =	sdelay $0x1  }
0x12b: {  	v9 =	vadd.f32 v9, v11  }
0x12c: {  	s7 =	sor.u32 $0x20, s16  }
0x12d: {  	[tilespmem:s5+$0x0] =	vst v9;
	s5 =	sadd.s32 s7, s14  }
0x12e: {  	v9 =	vld [tilespmem:s5+$0x0];
	_ =	sdelay $0x2  }
0x12f: {  	s7 =	sor.u32 s12, s7  }
0x130: {  	v10 =	vld [tilespmem:s7+$0x4800]  }
0x131: {  	v9 =	vsub.f32 v9, v7  }
0x132: {  	v11 =	vld [tilespmem:s7+$0x4C00]  }
0x133: {  	v9 =	vmul.f32 v9, v8;
	_ =	sdelay $0x1  }
0x134: {  	v9 =	vmul.f32 v9, v10;
	_ =	sdelay $0x1  }
0x135: {  	v9 =	vadd.f32 v9, v11  }
0x136: {  	s16 =	sor.u32 $0x30, s16  }
0x137: {  	s7 =	sadd.s32 s16, s14;
	[tilespmem:s5+$0x0] =	vst v9  }
0x138: {  	s5 =	sor.u32 s12, s16;
	v9 =	vld [tilespmem:s7+$0x0]  }
0x139: {  	v10 =	vld [tilespmem:s5+$0x4800]  }
0x13a: {  	v11 =	vld [tilespmem:s5+$0x4C00];
	_ =	sdelay $0x2  }
0x13b: {  	v9 =	vsub.f32 v9, v7;
	_ =	sdelay $0x1  }
0x13c: {  	v9 =	vmul.f32 v9, v8  }
.Ltmp1:
0x13d: {  	(pc) =	sbr.rel @p0 .LBB2_6-.Ltmp1, $4  }
0x13e: {  	s15 =	sadd.s32 $0x800, s15;
	v9 =	vmul.f32 v9, v10  }
0x13f: {  	s5 =	sand.u32 $0x7000, s15  }
0x140: {  	s13 =	sadd.s32 $0x40, s13;
	s5 =	sshrl.u32 s5, $0x2;
	v9 =	vadd.f32 v9, v11  }
0x141: {  	s22 =	sadd.s32 $0x40, s22;
	s16 =	sand.u32 $0x40, s13;
	s14 =	sadd.s32 s5, s2  }
0x142: {  	s2 =	sadd.s32 s16, s14;
	[tilespmem:s7+$0x0] =	vst v9  }
0x143: {  	v9 =	vld [tilespmem:s2+$0x0];
	_ =	sdelay $0x2  }
0x144: {  	s4 =	sadd.s32 $0x40, s4  }
0x145: {  	v10 =	vld [tilespmem:s4+$0x0]  }
0x146: {  	v9 =	vsub.f32 v9, v7  }
0x147: {  	v11 =	vld [tilespmem:s22+$0x0]  }
0x148: {  	v9 =	vmul.f32 v9, v8;
	_ =	sdelay $0x1  }
0x149: {  	v9 =	vmul.f32 v9, v10;
	_ =	sdelay $0x1  }
0x14a: {  	v9 =	vadd.f32 v9, v11  }
0x14b: {  	s7 =	sor.u32 $0x10, s16  }
0x14c: {  	s12 =	sadd.s32 s7, s14;
	[tilespmem:s2+$0x0] =	vst v9  }
0x14d: {  	v9 =	vld [tilespmem:s12+$0x0];
	_ =	sdelay $0x1  }
0x14e: {  	s5 =	sand.u32 $0x380, s13  }
0x14f: {  	s4 =	sor.u32 s5, s7  }
0x150: {  	v58 =	vld [tilespmem:s4+$0x4800]  }
0x151: {  	v9 =	vsub.f32 v9, v7  }
0x152: {  	v59 =	vld [tilespmem:s4+$0x4C00]  }
0x153: {  	v9 =	vmul.f32 v9, v8;
	_ =	sdelay $0x1  }
0x154: {  	v9 =	vmul.f32 v9, v58;
	_ =	sdelay $0x1  }
0x155: {  	v9 =	vadd.f32 v9, v59  }
0x156: {  	s13 =	sor.u32 $0x20, s16  }
0x157: {  	s15 =	sadd.s32 s13, s14;
	[tilespmem:s12+$0x0] =	vst v9  }
0x158: {  	v9 =	vld [tilespmem:s15+$0x0];
	_ =	sdelay $0x2  }
0x159: {  	s4 =	sor.u32 s5, s13  }
0x15a: {  	v60 =	vld [tilespmem:s4+$0x4800]  }
0x15b: {  	v9 =	vsub.f32 v9, v7  }
0x15c: {  	v61 =	vld [tilespmem:s4+$0x4C00]  }
0x15d: {  	v9 =	vmul.f32 v9, v8;
	_ =	sdelay $0x1  }
0x15e: {  	v9 =	vmul.f32 v9, v60;
	_ =	sdelay $0x1  }
0x15f: {  	v9 =	vadd.f32 v9, v61  }
0x160: {  	s16 =	sor.u32 $0x30, s16  }
0x161: {  	s22 =	sadd.s32 s16, s14;
	[tilespmem:s15+$0x0] =	vst v9  }
0x162: {  	v9 =	vld [tilespmem:s22+$0x0];
	_ =	sdelay $0x2  }
0x163: {  	s4 =	sor.u32 s5, s16  }
0x164: {  	v62 =	vld [tilespmem:s4+$0x4800]  }
0x165: {  	v7 =	vsub.f32 v9, v7  }
0x166: {  	v63 =	vld [tilespmem:s4+$0x4C00]  }
0x167: {  	s0 =	sadd.s32 $0x1, s0;
	v7 =	vmul.f32 v7, v8  }
0x168: {  	p0 =	sne.s32 s0, $0x40  }
.Ltmp2:
0x169: {  	v7 =	vmul.f32 v7, v62;
	(pc) =	sbr.rel @p0 .LBB2_3-.Ltmp2, $3  }
0x16a: {  	_ = 	snop  }
0x16b: {  	v7 =	vadd.f32 v7, v63;
	_ =	sdelay $0x1  }
0x16c: {  	[tilespmem:s22+$0x0] =	vst v7  }
0x16d: {  	s0 =	sshll.u32 s31, $0x12;
	s31 =	sadd.s32 $0x1, s31  }
0x16e: {  	p0 =	sne.s32 s31, $0x20  }
.Ltmp3:
0x16f: {  	s0 =	sadd.s32 s0, s11;
	(pc) =	sbr.rel @p0 .LBB2_2-.Ltmp3, $4  }
0x170: {  	[hbm4b:s0+s29] =	stream.strided.scatter [tilespmem:s17], [sflag:$0x2], $0x10000, s30, s29, $0x38;
	[tilespmem:$0x15000] =	vst v63  }
0x171: {  	_ =	swait.ge [sflag:s25], $0x10000  }
0x172: {  	[sflag:s25] =	ssyncset.done $0x0  }
0x173: {  	[sflag:s25] =	ssyncadd.s32 $0xFFFF0000  }
0x174: {  	s2 =	rddreg [dreg:$0xa]  }
0x175: {  	s0 =	rddreg [dreg:$0x9];
	s2 =	sadd.s32 $0x1, s2  }
0x176: {  	p0 =	sne.s32 s2, s0  }
.Ltmp4:
0x177: {  	_ = 	snop;
	(pc) =	sbr.rel @p0 .LBB2_1-.Ltmp4, $1  }
0x178: {  	_ =	sdelay $0x3  }
0x179: {  	_ =	sfence.sel $0x180000  }
0x17a: {  	[bflag:$0x0] =	sbarrier.arrive $0xFFFF  }
0x17b: {  	_ =	strace $0x90000047  }
0x17c: {  	s0 =	stileid.u32;
	[bflag:$0x2] =	sbarrier.arrive $0xFFFF  }
0x17d: {  	p0 =	sne.s32 s0, $0x0;
	s0 =	rddreg [dreg:$0x6]  }
0x17e: {  	s0 =	sadd.s32 @!p0 $0x100000, s0  }
0x17f: {  	[sflag:s0] =	ssyncadd.tile.s32 @!p0 $0x1;
	_ =	shalt  }
.Lfunc_end2:
_tile_overlayer_lowered:
.L_overlay_start_2:
0x180: {  	(tag) =	ssettag $0x2  }
0x181: {  	s0 =	rddreg [dreg:$0x0];
	s2 =	stileid.u32  }
0x182: {  	s1 =	rddreg [dreg:$0x1];
	p0 =	sne.s32 s2, $0x0  }
0x183: {  	s3 =	rddreg [dreg:$0x2];
	[bflag:$0x3] =	sbarrier.arrive $0xFFFF;
	s2 =	simm.s32 @!p0 $0x1C02  }
0x184: {  	[timem:s3], [sflag:s2] =	dma.local @!p0 [hbm:s0], s1  }
0x185: {  	s0 =	simm.s32 @!p0 $0x2  }
0x186: {  	_ =	swait.ge @!p0 [sflag:s0], s1  }
0x187: {  	s1 =	ssub.s32 @!p0 $0x0, s1;
	[sflag:s0] =	ssyncset.done @!p0 $0x0  }
0x188: {  	[sflag:s0] =	ssyncadd.s32 @!p0 s1  }
0x189: {  	[bflag:$0x3] =	sbarrier.arrive $0xFFFF  }
0x18a: {  	_ =	shalt  }

</sc_bundles>
